<compile_context>
chip_gen: v7x
topology: tpu7x:2x2x1
jax: 0.10.2.dev20260603
libtpu: 0.0.44.dev20260713+nightly
codegen_flags: <defaults>
</compile_context>

<pallas_src>
import functools

import jax
import jax.numpy as jnp
from jax import lax
from jax.experimental import pallas as pl
from jax.experimental.pallas import tpu as pltpu
from jax.experimental.pallas import tpu_sc as plsc

B, C, H, W = 4, 192, 384, 384
E = 16
CH = C // 4
COLS = H * W
C0 = 176
CSC = C - C0
SROWS = B * CSC
NWK = 32
PPW = SROWS // NWK
HB = 128
CPP = H // HB
TOT = PPW * CPP
CB = 8
NH = H // 8
NWG = W // 128

_mesh = plsc.VectorSubcoreMesh(core_axis_name="c", subcore_axis_name="s")


@functools.partial(
    pl.kernel,
    out_type=jax.ShapeDtypeStruct((NWK, PPW, 16), jnp.float32),
    mesh=_mesh,
    scratch_types=[
        pltpu.VMEM((HB, W), jnp.float32),
        pltpu.VMEM((HB, W), jnp.float32),
        pltpu.VMEM((TOT, 16), jnp.float32),
        pltpu.VMEM((PPW, 16), jnp.float32),
        pltpu.SemaphoreType.DMA,
        pltpu.SemaphoreType.DMA,
    ],
)
def _pool_sc(x_hbm, out_hbm, buf0, buf1, csum, obuf, sem0, sem1):
    wid = lax.axis_index("s") * 2 + lax.axis_index("c")
    p0 = wid * PPW

    def start(g, buf, sem):
        p = p0 + g // CPP
        h0 = (g % CPP) * HB
        b = p // CSC
        c = C0 + p % CSC
        pltpu.make_async_copy(
            x_hbm.at[b, c, pl.ds(h0, HB), :], buf, sem).start()

    def wait(buf, sem):
        pltpu.make_async_copy(
            x_hbm.at[0, 0, pl.ds(0, HB), :], buf, sem).wait()

    def accum_chunk(g, buf):
        def inner(r, accs):
            return tuple(
                accs[k] + buf[r, pl.ds((3 * k) * 16, 16)]
                + buf[r, pl.ds((3 * k + 1) * 16, 16)]
                + buf[r, pl.ds((3 * k + 2) * 16, 16)]
                for k in range(8))
        accs = tuple(jnp.zeros((16,), jnp.float32) for _ in range(8))
        accs = lax.fori_loop(0, HB, inner, accs)
        s = accs[0]
        for k in range(1, 8):
            s = s + accs[k]
        csum[g] = s

    start(0, buf0, sem0)
    start(1, buf1, sem1)

    def loop_body(gg, carry):
        g0 = 2 * gg
        wait(buf0, sem0)
        accum_chunk(g0, buf0)
        start(g0 + 2, buf0, sem0)
        wait(buf1, sem1)
        accum_chunk(g0 + 1, buf1)
        start(g0 + 3, buf1, sem1)
        return carry

    lax.fori_loop(0, TOT // 2 - 1, loop_body, 0)
    wait(buf0, sem0)
    accum_chunk(TOT - 2, buf0)
    wait(buf1, sem1)
    accum_chunk(TOT - 1, buf1)

    for i in range(PPW):
        s = csum[i * CPP]
        for c in range(1, CPP):
            s = s + csum[i * CPP + c]
        obuf[i] = s

    pltpu.sync_copy(obuf, out_hbm.at[wid])


def _tc_pool_body(x_ref, o_ref):
    x4 = x_ref[...]
    acc = x4[0, :, 0:8, 0:128]
    for hg in range(NH):
        for wg in range(NWG):
            if hg == 0 and wg == 0:
                continue
            acc = acc + x4[0, :, hg * 8:hg * 8 + 8, wg * 128:wg * 128 + 128]
    o_ref[...] = acc.sum(axis=1)[None]


def _mlp_body(tp_ref, sp_ref, w1_ref, b1_ref, w2_ref, b2_ref, o_ref):
    ptc = tp_ref[...].sum(axis=2)
    psc = sp_ref[...].sum(axis=2)
    pooled = jnp.concatenate([ptc, psc], axis=1) * (1.0 / COLS)
    h = lax.dot_general(pooled, w1_ref[...],
                        (((1,), (1,)), ((), ())),
                        preferred_element_type=jnp.float32)
    h = jnp.maximum(h + b1_ref[...], 0.0)
    logits = lax.dot_general(h, w2_ref[...],
                             (((1,), (1,)), ((), ())),
                             preferred_element_type=jnp.float32)
    logits = logits + b2_ref[...]
    m = jnp.max(logits, axis=1, keepdims=True)
    e = jnp.exp(logits - m)
    o_ref[...] = e / jnp.sum(e, axis=1, keepdims=True)


@jax.jit
def kernel(x, w1, b1, w2, b2):
    sc_part = _pool_sc(x)
    tc_part = pl.pallas_call(
        _tc_pool_body,
        grid=(B, C0 // CB),
        in_specs=[pl.BlockSpec((1, CB, H, W), lambda b, c: (b, c, 0, 0))],
        out_specs=pl.BlockSpec((1, CB, 128), lambda b, c: (b, c, 0)),
        out_shape=jax.ShapeDtypeStruct((B, C0, 128), jnp.float32),
    )(x)
    out = pl.pallas_call(
        _mlp_body,
        out_shape=jax.ShapeDtypeStruct((B, E), jnp.float32),
    )(tc_part, sc_part.reshape(B, CSC, 16), w1, b1.reshape(1, CH),
      w2, b2.reshape(1, E))
    return out

# --- scband reference (transcript-rebuilt; emitter-appended) ---
"""Pipeline reference for scband-router-1443109011809 (READ-ONLY COPY).

The authoritative reference and input builder live on the scoring server;
editing this copy changes nothing except your own understanding.
"""

import jax, jax.numpy as jnp
import numpy as np


def setup_inputs(seed: int = 0) -> dict:
    key = jax.random.key(seed)
    k1, k2, k3 = jax.random.split(key, 3)
    B, C, H, W = 4, 192, 384, 384
    E = 16
    Ch = C // 4
    x = jax.random.normal(k1, (B, C, H, W), dtype=jnp.float32)
    # 1x1 conv weights represented as dense matrices (conv2d with kernel 1 == matmul over channels)
    w1 = jax.random.normal(k2, (Ch, C), dtype=jnp.float32) * (1.0 / np.sqrt(C))
    b1 = jnp.zeros((Ch,), dtype=jnp.float32)
    w2 = jax.random.normal(k3, (E, Ch), dtype=jnp.float32) * (1.0 / np.sqrt(Ch))
    b2 = jnp.zeros((E,), dtype=jnp.float32)
    return {"x": x, "w1": w1, "b1": b1, "w2": w2, "b2": b2}


def reference(x, w1, b1, w2, b2):
    # AdaptiveAvgPool2d(1): global average over spatial dims -> [B, C]
    pooled = jnp.mean(x, axis=(2, 3))
    # Conv2d(C, C//4, 1) on a 1x1 feature map == linear layer
    h = jax.nn.relu(pooled @ w1.T + b1)
    # Conv2d(C//4, E, 1)
    logits = h @ w2.T + b2
    # view(B, -1) then softmax over experts
    weights = jax.nn.softmax(logits, axis=1)
    return weights

if __name__ == "__main__":
    import jax
    _d = setup_inputs()
    print(jax.jit(kernel)(*tuple(_d.values())))

</pallas_src>

<mosaic_0001>
#map = affine_map<(d0, d1) -> (0, 0, 0, 0)>
#map1 = affine_map<(d0, d1) -> (0, 0, 0)>
module attributes {stable_mosaic.version = 14 : i64} {
  func.func @_pool_sc(%arg0: i32, %arg1: i32, %arg2: memref<4x192x384x384xf32, #tpu.memory_space<hbm>>, %arg3: memref<32x2x16xf32, #tpu.memory_space<hbm>>, %arg4: memref<128x384xf32, #tpu.memory_space<vmem>>, %arg5: memref<128x384xf32, #tpu.memory_space<vmem>>, %arg6: memref<6x16xf32, #tpu.memory_space<vmem>>, %arg7: memref<2x16xf32, #tpu.memory_space<vmem>>, %arg8: memref<!tpu.dma_semaphore, #tpu.memory_space<semaphore_mem>>, %arg9: memref<!tpu.dma_semaphore, #tpu.memory_space<semaphore_mem>>) attributes {dimension_semantics = [#tpu.dimension_semantics<core_parallel>, #tpu.dimension_semantics<subcore_parallel>], iteration_bounds = array<i64: 2, 16>, scalar_prefetch = 0 : i64, scratch_operands = 6 : i64, tpu.core_type = #tpu.core_type<sc_vector_subcore>, window_params = [{transform_indices = #map}, {transform_indices = #map1}]} {
    %mul3A = arith.constant 2 : i32
    %mul3A_0 = arith.muli %arg1, %mul3A : i32
    %add3A = arith.addi %mul3A_0, %arg0 : i32
    %mul3A_1 = arith.constant 2 : i32
    %mul3A_2 = arith.muli %add3A, %mul3A_1 : i32
    %add3A_3 = arith.constant 0 : i32
    %add3A_4 = arith.addi %mul3A_2, %add3A_3 : i32
    %jit3A = arith.constant 16 : i32
    %div3A = arith.divsi %add3A_4, %jit3A : i32
    %sign3A = arith.constant 0 : i32
    %sign3A_5 = arith.cmpi sgt, %add3A_4, %sign3A : i32
    %sign3A_6 = arith.extui %sign3A_5 : i1 to i32
    %sign3A_7 = arith.constant 0 : i32
    %sign3A_8 = arith.cmpi slt, %add3A_4, %sign3A_7 : i32
    %sign3A_9 = arith.extui %sign3A_8 : i1 to i32
    %sign3A_10 = arith.subi %sign3A_6, %sign3A_9 : i32
    %sign3A_11 = arith.constant 0 : i32
    %sign3A_12 = arith.cmpi sgt, %jit3A, %sign3A_11 : i32
    %sign3A_13 = arith.extui %sign3A_12 : i1 to i32
    %sign3A_14 = arith.constant 0 : i32
    %sign3A_15 = arith.cmpi slt, %jit3A, %sign3A_14 : i32
    %sign3A_16 = arith.extui %sign3A_15 : i1 to i32
    %sign3A_17 = arith.subi %sign3A_13, %sign3A_16 : i32
    %ne3A = arith.cmpi ne, %sign3A_10, %sign3A_17 : i32
    %rem3A = arith.remsi %add3A_4, %jit3A : i32
    %ne3A_18 = arith.constant 0 : i32
    %ne3A_19 = arith.cmpi ne, %rem3A, %ne3A_18 : i32
    %and3A = arith.andi %ne3A, %ne3A_19 : i1
    %sub3A = arith.constant 1 : i32
    %sub3A_20 = arith.subi %div3A, %sub3A : i32
    %select_n3A = arith.select %and3A, %sub3A_20, %div3A : i32
    %jit3A_21 = arith.constant 16 : i32
    %eq3A = arith.constant 0 : i32
    %eq3A_22 = arith.cmpi eq, %jit3A_21, %eq3A : i32
    %jit3A_23 = arith.constant 1 : i32
    %select_n3A_24 = arith.select %eq3A_22, %jit3A_23, %jit3A_21 : i32
    %rem3A_25 = arith.remsi %add3A_4, %select_n3A_24 : i32
    %ne3A_26 = arith.constant 0 : i32
    %ne3A_27 = arith.cmpi ne, %rem3A_25, %ne3A_26 : i32
    %lt3A = arith.constant 0 : i32
    %lt3A_28 = arith.cmpi slt, %rem3A_25, %lt3A : i32
    %lt3A_29 = arith.constant 0 : i32
    %lt3A_30 = arith.cmpi slt, %select_n3A_24, %lt3A_29 : i32
    %ne3A_31 = arith.xori %lt3A_28, %lt3A_30 : i1
    %and3A_32 = arith.andi %ne3A_31, %ne3A_27 : i1
    %add3A_33 = arith.addi %rem3A_25, %select_n3A_24 : i32
    %select_n3A_34 = arith.select %and3A_32, %add3A_33, %rem3A_25 : i32
    %add3A_35 = arith.constant 176 : i32
    %add3A_36 = arith.addi %add3A_35, %select_n3A_34 : i32
    %dma_start3A = arith.constant 0 : i32
    %dma_start3A_37 = arith.constant 0 : i32
    %dma_start3A_38 = tpu.memref_slice %arg2[%select_n3A, %add3A_36, %dma_start3A, %dma_start3A_37] : memref<4x192x384x384xf32, #tpu.memory_space<hbm>> -> memref<1x1x128x384xf32, #tpu.memory_space<hbm>>
    %dma_start3A_39 = tpu.memref_squeeze %dma_start3A_38 : memref<1x1x128x384xf32, #tpu.memory_space<hbm>> -> memref<128x384xf32, #tpu.memory_space<hbm>>
    %dma_start3A_40 = arith.constant 0 : i32
    %dma_start3A_41 = arith.constant 0 : i32
    %dma_start3A_42 = tpu.memref_slice %arg2[%select_n3A, %add3A_36, %dma_start3A_40, %dma_start3A_41] : memref<4x192x384x384xf32, #tpu.memory_space<hbm>> -> memref<1x1x128x384xf32, #tpu.memory_space<hbm>>
    %dma_start3A_43 = tpu.memref_squeeze %dma_start3A_42 : memref<1x1x128x384xf32, #tpu.memory_space<hbm>> -> memref<128x384xf32, #tpu.memory_space<hbm>>
    tpu.enqueue_dma source(%dma_start3A_43 : memref<128x384xf32, #tpu.memory_space<hbm>>) target(%arg4 : memref<128x384xf32, #tpu.memory_space<vmem>>) target_semaphore(%arg8 : memref<!tpu.dma_semaphore, #tpu.memory_space<semaphore_mem>>)
    %add3A_44 = arith.constant 0 : i32
    %add3A_45 = arith.addi %mul3A_2, %add3A_44 : i32
    %jit3A_46 = arith.constant 16 : i32
    %div3A_47 = arith.divsi %add3A_45, %jit3A_46 : i32
    %sign3A_48 = arith.constant 0 : i32
    %sign3A_49 = arith.cmpi sgt, %add3A_45, %sign3A_48 : i32
    %sign3A_50 = arith.extui %sign3A_49 : i1 to i32
    %sign3A_51 = arith.constant 0 : i32
    %sign3A_52 = arith.cmpi slt, %add3A_45, %sign3A_51 : i32
    %sign3A_53 = arith.extui %sign3A_52 : i1 to i32
    %sign3A_54 = arith.subi %sign3A_50, %sign3A_53 : i32
    %sign3A_55 = arith.constant 0 : i32
    %sign3A_56 = arith.cmpi sgt, %jit3A_46, %sign3A_55 : i32
    %sign3A_57 = arith.extui %sign3A_56 : i1 to i32
    %sign3A_58 = arith.constant 0 : i32
    %sign3A_59 = arith.cmpi slt, %jit3A_46, %sign3A_58 : i32
    %sign3A_60 = arith.extui %sign3A_59 : i1 to i32
    %sign3A_61 = arith.subi %sign3A_57, %sign3A_60 : i32
    %ne3A_62 = arith.cmpi ne, %sign3A_54, %sign3A_61 : i32
    %rem3A_63 = arith.remsi %add3A_45, %jit3A_46 : i32
    %ne3A_64 = arith.constant 0 : i32
    %ne3A_65 = arith.cmpi ne, %rem3A_63, %ne3A_64 : i32
    %and3A_66 = arith.andi %ne3A_62, %ne3A_65 : i1
    %sub3A_67 = arith.constant 1 : i32
    %sub3A_68 = arith.subi %div3A_47, %sub3A_67 : i32
    %select_n3A_69 = arith.select %and3A_66, %sub3A_68, %div3A_47 : i32
    %jit3A_70 = arith.constant 16 : i32
    %eq3A_71 = arith.constant 0 : i32
    %eq3A_72 = arith.cmpi eq, %jit3A_70, %eq3A_71 : i32
    %jit3A_73 = arith.constant 1 : i32
    %select_n3A_74 = arith.select %eq3A_72, %jit3A_73, %jit3A_70 : i32
    %rem3A_75 = arith.remsi %add3A_45, %select_n3A_74 : i32
    %ne3A_76 = arith.constant 0 : i32
    %ne3A_77 = arith.cmpi ne, %rem3A_75, %ne3A_76 : i32
    %lt3A_78 = arith.constant 0 : i32
    %lt3A_79 = arith.cmpi slt, %rem3A_75, %lt3A_78 : i32
    %lt3A_80 = arith.constant 0 : i32
    %lt3A_81 = arith.cmpi slt, %select_n3A_74, %lt3A_80 : i32
    %ne3A_82 = arith.xori %lt3A_79, %lt3A_81 : i1
    %and3A_83 = arith.andi %ne3A_82, %ne3A_77 : i1
    %add3A_84 = arith.addi %rem3A_75, %select_n3A_74 : i32
    %select_n3A_85 = arith.select %and3A_83, %add3A_84, %rem3A_75 : i32
    %add3A_86 = arith.constant 176 : i32
    %add3A_87 = arith.addi %add3A_86, %select_n3A_85 : i32
    %dma_start3A_88 = arith.constant 128 : i32
    %dma_start3A_89 = arith.constant 0 : i32
    %dma_start3A_90 = tpu.memref_slice %arg2[%select_n3A_69, %add3A_87, %dma_start3A_88, %dma_start3A_89] : memref<4x192x384x384xf32, #tpu.memory_space<hbm>> -> memref<1x1x128x384xf32, #tpu.memory_space<hbm>>
    %dma_start3A_91 = tpu.memref_squeeze %dma_start3A_90 : memref<1x1x128x384xf32, #tpu.memory_space<hbm>> -> memref<128x384xf32, #tpu.memory_space<hbm>>
    %dma_start3A_92 = arith.constant 128 : i32
    %dma_start3A_93 = arith.constant 0 : i32
    %dma_start3A_94 = tpu.memref_slice %arg2[%select_n3A_69, %add3A_87, %dma_start3A_92, %dma_start3A_93] : memref<4x192x384x384xf32, #tpu.memory_space<hbm>> -> memref<1x1x128x384xf32, #tpu.memory_space<hbm>>
    %dma_start3A_95 = tpu.memref_squeeze %dma_start3A_94 : memref<1x1x128x384xf32, #tpu.memory_space<hbm>> -> memref<128x384xf32, #tpu.memory_space<hbm>>
    tpu.enqueue_dma source(%dma_start3A_95 : memref<128x384xf32, #tpu.memory_space<hbm>>) target(%arg5 : memref<128x384xf32, #tpu.memory_space<vmem>>) target_semaphore(%arg9 : memref<!tpu.dma_semaphore, #tpu.memory_space<semaphore_mem>>)
    %scan3A = arith.constant 0 : i32
    %scan3A_96 = arith.constant 0 : i32
    %scan3A_97 = arith.constant 2 : i32
    %scan3A_98 = arith.addi %scan3A_96, %scan3A_97 : i32
    %scan3A_99 = arith.constant 1 : i32
    scf.for %scan3A_233 = %scan3A_96 to %scan3A_98 step %scan3A_99  : i32 {
      %mul3A_234 = arith.constant 2 : i32
      %mul3A_235 = arith.muli %mul3A_234, %scan3A_233 : i32
      %dma_wait3A_236 = arith.constant 0 : i32
      %dma_wait3A_237 = arith.constant 0 : i32
      %dma_wait3A_238 = arith.constant 0 : i32
      %dma_wait3A_239 = arith.constant 0 : i32
      %dma_wait3A_240 = tpu.memref_slice %arg2[%dma_wait3A_236, %dma_wait3A_237, %dma_wait3A_238, %dma_wait3A_239] : memref<4x192x384x384xf32, #tpu.memory_space<hbm>> -> memref<1x1x128x384xf32, #tpu.memory_space<hbm>>
      %dma_wait3A_241 = tpu.memref_squeeze %dma_wait3A_240 : memref<1x1x128x384xf32, #tpu.memory_space<hbm>> -> memref<128x384xf32, #tpu.memory_space<hbm>>
      %dma_wait3A_242 = arith.constant 0 : i32
      %dma_wait3A_243 = arith.constant 0 : i32
      %dma_wait3A_244 = tpu.memref_slice %arg2[%dma_wait3A_236, %dma_wait3A_237, %dma_wait3A_242, %dma_wait3A_243] : memref<4x192x384x384xf32, #tpu.memory_space<hbm>> -> memref<1x1x128x384xf32, #tpu.memory_space<hbm>>
      %dma_wait3A_245 = tpu.memref_squeeze %dma_wait3A_244 : memref<1x1x128x384xf32, #tpu.memory_space<hbm>> -> memref<128x384xf32, #tpu.memory_space<hbm>>
      tpu.wait_dma2 semaphore(%arg8 : memref<!tpu.dma_semaphore, #tpu.memory_space<semaphore_mem>>) src(%dma_wait3A_245 : memref<128x384xf32, #tpu.memory_space<hbm>>) dst(%arg4 : memref<128x384xf32, #tpu.memory_space<vmem>>)
      %broadcast_in_dim3A_246 = arith.constant 0.000000e+00 : f32
      %broadcast_in_dim3A_247 = vector.broadcast %broadcast_in_dim3A_246 : f32 to vector<16xf32>
      %broadcast_in_dim3A_248 = arith.constant 0.000000e+00 : f32
      %broadcast_in_dim3A_249 = vector.broadcast %broadcast_in_dim3A_248 : f32 to vector<16xf32>
      %broadcast_in_dim3A_250 = arith.constant 0.000000e+00 : f32
      %broadcast_in_dim3A_251 = vector.broadcast %broadcast_in_dim3A_250 : f32 to vector<16xf32>
      %broadcast_in_dim3A_252 = arith.constant 0.000000e+00 : f32
      %broadcast_in_dim3A_253 = vector.broadcast %broadcast_in_dim3A_252 : f32 to vector<16xf32>
      %broadcast_in_dim3A_254 = arith.constant 0.000000e+00 : f32
      %broadcast_in_dim3A_255 = vector.broadcast %broadcast_in_dim3A_254 : f32 to vector<16xf32>
      %broadcast_in_dim3A_256 = arith.constant 0.000000e+00 : f32
      %broadcast_in_dim3A_257 = vector.broadcast %broadcast_in_dim3A_256 : f32 to vector<16xf32>
      %broadcast_in_dim3A_258 = arith.constant 0.000000e+00 : f32
      %broadcast_in_dim3A_259 = vector.broadcast %broadcast_in_dim3A_258 : f32 to vector<16xf32>
      %broadcast_in_dim3A_260 = arith.constant 0.000000e+00 : f32
      %broadcast_in_dim3A_261 = vector.broadcast %broadcast_in_dim3A_260 : f32 to vector<16xf32>
      %scan3A_262 = arith.constant 0 : i32
      %scan3A_263 = arith.constant 128 : i32
      %scan3A_264 = arith.addi %scan3A_262, %scan3A_263 : i32
      %scan3A_265 = arith.constant 1 : i32
      %scan3A_266:8 = scf.for %scan3A_512 = %scan3A_262 to %scan3A_264 step %scan3A_265 iter_args(%scan3A_513 = %broadcast_in_dim3A_247, %scan3A_514 = %broadcast_in_dim3A_249, %scan3A_515 = %broadcast_in_dim3A_251, %scan3A_516 = %broadcast_in_dim3A_253, %scan3A_517 = %broadcast_in_dim3A_255, %scan3A_518 = %broadcast_in_dim3A_257, %scan3A_519 = %broadcast_in_dim3A_259, %scan3A_520 = %broadcast_in_dim3A_261) -> (vector<16xf32>, vector<16xf32>, vector<16xf32>, vector<16xf32>, vector<16xf32>, vector<16xf32>, vector<16xf32>, vector<16xf32>)  : i32 {
        %get3A_521 = arith.index_cast %scan3A_512 : i32 to index
        %get3A_522 = arith.constant 0 : index
        %get3A_523 = tpu.vector_load %arg4[%get3A_521, %get3A_522] {strides = array<i32>} : memref<128x384xf32, #tpu.memory_space<vmem>>, vector<1x16xf32>,
        %get3A_524 = vector.shape_cast %get3A_523 : vector<1x16xf32> to vector<16xf32>
        %add3A_525 = arith.addf %scan3A_513, %get3A_524 : vector<16xf32>
        %get3A_526 = arith.index_cast %scan3A_512 : i32 to index
        %get3A_527 = arith.constant 16 : index
        %get3A_528 = tpu.vector_load %arg4[%get3A_526, %get3A_527] {strides = array<i32>} : memref<128x384xf32, #tpu.memory_space<vmem>>, vector<1x16xf32>,
        %get3A_529 = vector.shape_cast %get3A_528 : vector<1x16xf32> to vector<16xf32>
        %add3A_530 = arith.addf %add3A_525, %get3A_529 : vector<16xf32>
        %get3A_531 = arith.index_cast %scan3A_512 : i32 to index
        %get3A_532 = arith.constant 32 : index
        %get3A_533 = tpu.vector_load %arg4[%get3A_531, %get3A_532] {strides = array<i32>} : memref<128x384xf32, #tpu.memory_space<vmem>>, vector<1x16xf32>,
        %get3A_534 = vector.shape_cast %get3A_533 : vector<1x16xf32> to vector<16xf32>
        %add3A_535 = arith.addf %add3A_530, %get3A_534 : vector<16xf32>
        %get3A_536 = arith.index_cast %scan3A_512 : i32 to index
        %get3A_537 = arith.constant 48 : index
        %get3A_538 = tpu.vector_load %arg4[%get3A_536, %get3A_537] {strides = array<i32>} : memref<128x384xf32, #tpu.memory_space<vmem>>, vector<1x16xf32>,
        %get3A_539 = vector.shape_cast %get3A_538 : vector<1x16xf32> to vector<16xf32>
        %add3A_540 = arith.addf %scan3A_514, %get3A_539 : vector<16xf32>
        %get3A_541 = arith.index_cast %scan3A_512 : i32 to index
        %get3A_542 = arith.constant 64 : index
        %get3A_543 = tpu.vector_load %arg4[%get3A_541, %get3A_542] {strides = array<i32>} : memref<128x384xf32, #tpu.memory_space<vmem>>, vector<1x16xf32>,
        %get3A_544 = vector.shape_cast %get3A_543 : vector<1x16xf32> to vector<16xf32>
        %add3A_545 = arith.addf %add3A_540, %get3A_544 : vector<16xf32>
        %get3A_546 = arith.index_cast %scan3A_512 : i32 to index
        %get3A_547 = arith.constant 80 : index
        %get3A_548 = tpu.vector_load %arg4[%get3A_546, %get3A_547] {strides = array<i32>} : memref<128x384xf32, #tpu.memory_space<vmem>>, vector<1x16xf32>,
        %get3A_549 = vector.shape_cast %get3A_548 : vector<1x16xf32> to vector<16xf32>
        %add3A_550 = arith.addf %add3A_545, %get3A_549 : vector<16xf32>
        %get3A_551 = arith.index_cast %scan3A_512 : i32 to index
        %get3A_552 = arith.constant 96 : index
        %get3A_553 = tpu.vector_load %arg4[%get3A_551, %get3A_552] {strides = array<i32>} : memref<128x384xf32, #tpu.memory_space<vmem>>, vector<1x16xf32>,
        %get3A_554 = vector.shape_cast %get3A_553 : vector<1x16xf32> to vector<16xf32>
        %add3A_555 = arith.addf %scan3A_515, %get3A_554 : vector<16xf32>
        %get3A_556 = arith.index_cast %scan3A_512 : i32 to index
        %get3A_557 = arith.constant 112 : index
        %get3A_558 = tpu.vector_load %arg4[%get3A_556, %get3A_557] {strides = array<i32>} : memref<128x384xf32, #tpu.memory_space<vmem>>, vector<1x16xf32>,
        %get3A_559 = vector.shape_cast %get3A_558 : vector<1x16xf32> to vector<16xf32>
        %add3A_560 = arith.addf %add3A_555, %get3A_559 : vector<16xf32>
        %get3A_561 = arith.index_cast %scan3A_512 : i32 to index
        %get3A_562 = arith.constant 128 : index
        %get3A_563 = tpu.vector_load %arg4[%get3A_561, %get3A_562] {strides = array<i32>} : memref<128x384xf32, #tpu.memory_space<vmem>>, vector<1x16xf32>,
        %get3A_564 = vector.shape_cast %get3A_563 : vector<1x16xf32> to vector<16xf32>
        %add3A_565 = arith.addf %add3A_560, %get3A_564 : vector<16xf32>
        %get3A_566 = arith.index_cast %scan3A_512 : i32 to index
        %get3A_567 = arith.constant 144 : index
        %get3A_568 = tpu.vector_load %arg4[%get3A_566, %get3A_567] {strides = array<i32>} : memref<128x384xf32, #tpu.memory_space<vmem>>, vector<1x16xf32>,
        %get3A_569 = vector.shape_cast %get3A_568 : vector<1x16xf32> to vector<16xf32>
        %add3A_570 = arith.addf %scan3A_516, %get3A_569 : vector<16xf32>
        %get3A_571 = arith.index_cast %scan3A_512 : i32 to index
        %get3A_572 = arith.constant 160 : index
        %get3A_573 = tpu.vector_load %arg4[%get3A_571, %get3A_572] {strides = array<i32>} : memref<128x384xf32, #tpu.memory_space<vmem>>, vector<1x16xf32>,
        %get3A_574 = vector.shape_cast %get3A_573 : vector<1x16xf32> to vector<16xf32>
        %add3A_575 = arith.addf %add3A_570, %get3A_574 : vector<16xf32>
        %get3A_576 = arith.index_cast %scan3A_512 : i32 to index
        %get3A_577 = arith.constant 176 : index
        %get3A_578 = tpu.vector_load %arg4[%get3A_576, %get3A_577] {strides = array<i32>} : memref<128x384xf32, #tpu.memory_space<vmem>>, vector<1x16xf32>,
        %get3A_579 = vector.shape_cast %get3A_578 : vector<1x16xf32> to vector<16xf32>
        %add3A_580 = arith.addf %add3A_575, %get3A_579 : vector<16xf32>
        %get3A_581 = arith.index_cast %scan3A_512 : i32 to index
        %get3A_582 = arith.constant 192 : index
        %get3A_583 = tpu.vector_load %arg4[%get3A_581, %get3A_582] {strides = array<i32>} : memref<128x384xf32, #tpu.memory_space<vmem>>, vector<1x16xf32>,
        %get3A_584 = vector.shape_cast %get3A_583 : vector<1x16xf32> to vector<16xf32>
        %add3A_585 = arith.addf %scan3A_517, %get3A_584 : vector<16xf32>
        %get3A_586 = arith.index_cast %scan3A_512 : i32 to index
        %get3A_587 = arith.constant 208 : index
        %get3A_588 = tpu.vector_load %arg4[%get3A_586, %get3A_587] {strides = array<i32>} : memref<128x384xf32, #tpu.memory_space<vmem>>, vector<1x16xf32>,
        %get3A_589 = vector.shape_cast %get3A_588 : vector<1x16xf32> to vector<16xf32>
        %add3A_590 = arith.addf %add3A_585, %get3A_589 : vector<16xf32>
        %get3A_591 = arith.index_cast %scan3A_512 : i32 to index
        %get3A_592 = arith.constant 224 : index
        %get3A_593 = tpu.vector_load %arg4[%get3A_591, %get3A_592] {strides = array<i32>} : memref<128x384xf32, #tpu.memory_space<vmem>>, vector<1x16xf32>,
        %get3A_594 = vector.shape_cast %get3A_593 : vector<1x16xf32> to vector<16xf32>
        %add3A_595 = arith.addf %add3A_590, %get3A_594 : vector<16xf32>
        %get3A_596 = arith.index_cast %scan3A_512 : i32 to index
        %get3A_597 = arith.constant 240 : index
        %get3A_598 = tpu.vector_load %arg4[%get3A_596, %get3A_597] {strides = array<i32>} : memref<128x384xf32, #tpu.memory_space<vmem>>, vector<1x16xf32>,
        %get3A_599 = vector.shape_cast %get3A_598 : vector<1x16xf32> to vector<16xf32>
        %add3A_600 = arith.addf %scan3A_518, %get3A_599 : vector<16xf32>
        %get3A_601 = arith.index_cast %scan3A_512 : i32 to index
        %get3A_602 = arith.constant 256 : index
        %get3A_603 = tpu.vector_load %arg4[%get3A_601, %get3A_602] {strides = array<i32>} : memref<128x384xf32, #tpu.memory_space<vmem>>, vector<1x16xf32>,
        %get3A_604 = vector.shape_cast %get3A_603 : vector<1x16xf32> to vector<16xf32>
        %add3A_605 = arith.addf %add3A_600, %get3A_604 : vector<16xf32>
        %get3A_606 = arith.index_cast %scan3A_512 : i32 to index
        %get3A_607 = arith.constant 272 : index
        %get3A_608 = tpu.vector_load %arg4[%get3A_606, %get3A_607] {strides = array<i32>} : memref<128x384xf32, #tpu.memory_space<vmem>>, vector<1x16xf32>,
        %get3A_609 = vector.shape_cast %get3A_608 : vector<1x16xf32> to vector<16xf32>
        %add3A_610 = arith.addf %add3A_605, %get3A_609 : vector<16xf32>
        %get3A_611 = arith.index_cast %scan3A_512 : i32 to index
        %get3A_612 = arith.constant 288 : index
        %get3A_613 = tpu.vector_load %arg4[%get3A_611, %get3A_612] {strides = array<i32>} : memref<128x384xf32, #tpu.memory_space<vmem>>, vector<1x16xf32>,
        %get3A_614 = vector.shape_cast %get3A_613 : vector<1x16xf32> to vector<16xf32>
        %add3A_615 = arith.addf %scan3A_519, %get3A_614 : vector<16xf32>
        %get3A_616 = arith.index_cast %scan3A_512 : i32 to index
        %get3A_617 = arith.constant 304 : index
        %get3A_618 = tpu.vector_load %arg4[%get3A_616, %get3A_617] {strides = array<i32>} : memref<128x384xf32, #tpu.memory_space<vmem>>, vector<1x16xf32>,
        %get3A_619 = vector.shape_cast %get3A_618 : vector<1x16xf32> to vector<16xf32>
        %add3A_620 = arith.addf %add3A_615, %get3A_619 : vector<16xf32>
        %get3A_621 = arith.index_cast %scan3A_512 : i32 to index
        %get3A_622 = arith.constant 320 : index
        %get3A_623 = tpu.vector_load %arg4[%get3A_621, %get3A_622] {strides = array<i32>} : memref<128x384xf32, #tpu.memory_space<vmem>>, vector<1x16xf32>,
        %get3A_624 = vector.shape_cast %get3A_623 : vector<1x16xf32> to vector<16xf32>
        %add3A_625 = arith.addf %add3A_620, %get3A_624 : vector<16xf32>
        %get3A_626 = arith.index_cast %scan3A_512 : i32 to index
        %get3A_627 = arith.constant 336 : index
        %get3A_628 = tpu.vector_load %arg4[%get3A_626, %get3A_627] {strides = array<i32>} : memref<128x384xf32, #tpu.memory_space<vmem>>, vector<1x16xf32>,
        %get3A_629 = vector.shape_cast %get3A_628 : vector<1x16xf32> to vector<16xf32>
        %add3A_630 = arith.addf %scan3A_520, %get3A_629 : vector<16xf32>
        %get3A_631 = arith.index_cast %scan3A_512 : i32 to index
        %get3A_632 = arith.constant 352 : index
        %get3A_633 = tpu.vector_load %arg4[%get3A_631, %get3A_632] {strides = array<i32>} : memref<128x384xf32, #tpu.memory_space<vmem>>, vector<1x16xf32>,
        %get3A_634 = vector.shape_cast %get3A_633 : vector<1x16xf32> to vector<16xf32>
        %add3A_635 = arith.addf %add3A_630, %get3A_634 : vector<16xf32>
        %get3A_636 = arith.index_cast %scan3A_512 : i32 to index
        %get3A_637 = arith.constant 368 : index
        %get3A_638 = tpu.vector_load %arg4[%get3A_636, %get3A_637] {strides = array<i32>} : memref<128x384xf32, #tpu.memory_space<vmem>>, vector<1x16xf32>,
        %get3A_639 = vector.shape_cast %get3A_638 : vector<1x16xf32> to vector<16xf32>
        %add3A_640 = arith.addf %add3A_635, %get3A_639 : vector<16xf32>
        scf.yield %add3A_535, %add3A_550, %add3A_565, %add3A_580, %add3A_595, %add3A_610, %add3A_625, %add3A_640 : vector<16xf32>, vector<16xf32>, vector<16xf32>, vector<16xf32>, vector<16xf32>, vector<16xf32>, vector<16xf32>, vector<16xf32>
      }
      %scan3A_267 = arith.constant 128 : i32
      %add3A_268 = arith.addf %scan3A_266#0, %scan3A_266#1 : vector<16xf32>
      %add3A_269 = arith.addf %add3A_268, %scan3A_266#2 : vector<16xf32>
      %add3A_270 = arith.addf %add3A_269, %scan3A_266#3 : vector<16xf32>
      %add3A_271 = arith.addf %add3A_270, %scan3A_266#4 : vector<16xf32>
      %add3A_272 = arith.addf %add3A_271, %scan3A_266#5 : vector<16xf32>
      %add3A_273 = arith.addf %add3A_272, %scan3A_266#6 : vector<16xf32>
      %add3A_274 = arith.addf %add3A_273, %scan3A_266#7 : vector<16xf32>
      %swap3A_275 = arith.index_cast %mul3A_235 : i32 to index
      %swap3A_276 = arith.constant 0 : index
      %swap3A_277 = tpu.vector_load %arg6[%swap3A_275, %swap3A_276] {strides = array<i32>} : memref<6x16xf32, #tpu.memory_space<vmem>>, vector<1x16xf32>,
      %swap3A_278 = vector.shape_cast %swap3A_277 : vector<1x16xf32> to vector<16xf32>
      %swap3A_279 = vector.shape_cast %add3A_274 : vector<16xf32> to vector<1x16xf32>
      tpu.vector_store %arg6[%swap3A_275, %swap3A_276], %swap3A_279 {strides = array<i32>} : memref<6x16xf32, #tpu.memory_space<vmem>>, vector<1x16xf32>,
      %add3A_280 = arith.constant 2 : i32
      %add3A_281 = arith.addi %mul3A_235, %add3A_280 : i32
      %jit3A_282 = arith.constant 3 : i32
      %div3A_283 = arith.divsi %add3A_281, %jit3A_282 : i32
      %sign3A_284 = arith.constant 0 : i32
      %sign3A_285 = arith.cmpi sgt, %add3A_281, %sign3A_284 : i32
      %sign3A_286 = arith.extui %sign3A_285 : i1 to i32
      %sign3A_287 = arith.constant 0 : i32
      %sign3A_288 = arith.cmpi slt, %add3A_281, %sign3A_287 : i32
      %sign3A_289 = arith.extui %sign3A_288 : i1 to i32
      %sign3A_290 = arith.subi %sign3A_286, %sign3A_289 : i32
      %sign3A_291 = arith.constant 0 : i32
      %sign3A_292 = arith.cmpi sgt, %jit3A_282, %sign3A_291 : i32
      %sign3A_293 = arith.extui %sign3A_292 : i1 to i32
      %sign3A_294 = arith.constant 0 : i32
      %sign3A_295 = arith.cmpi slt, %jit3A_282, %sign3A_294 : i32
      %sign3A_296 = arith.extui %sign3A_295 : i1 to i32
      %sign3A_297 = arith.subi %sign3A_293, %sign3A_296 : i32
      %ne3A_298 = arith.cmpi ne, %sign3A_290, %sign3A_297 : i32
      %rem3A_299 = arith.remsi %add3A_281, %jit3A_282 : i32
      %ne3A_300 = arith.constant 0 : i32
      %ne3A_301 = arith.cmpi ne, %rem3A_299, %ne3A_300 : i32
      %and3A_302 = arith.andi %ne3A_298, %ne3A_301 : i1
      %sub3A_303 = arith.constant 1 : i32
      %sub3A_304 = arith.subi %div3A_283, %sub3A_303 : i32
      %select_n3A_305 = arith.select %and3A_302, %sub3A_304, %div3A_283 : i32
      %add3A_306 = arith.addi %mul3A_2, %select_n3A_305 : i32
      %jit3A_307 = arith.constant 3 : i32
      %eq3A_308 = arith.constant 0 : i32
      %eq3A_309 = arith.cmpi eq, %jit3A_307, %eq3A_308 : i32
      %jit3A_310 = arith.constant 1 : i32
      %select_n3A_311 = arith.select %eq3A_309, %jit3A_310, %jit3A_307 : i32
      %rem3A_312 = arith.remsi %add3A_281, %select_n3A_311 : i32
      %ne3A_313 = arith.constant 0 : i32
      %ne3A_314 = arith.cmpi ne, %rem3A_312, %ne3A_313 : i32
      %lt3A_315 = arith.constant 0 : i32
      %lt3A_316 = arith.cmpi slt, %rem3A_312, %lt3A_315 : i32
      %lt3A_317 = arith.constant 0 : i32
      %lt3A_318 = arith.cmpi slt, %select_n3A_311, %lt3A_317 : i32
      %ne3A_319 = arith.xori %lt3A_316, %lt3A_318 : i1
      %and3A_320 = arith.andi %ne3A_319, %ne3A_314 : i1
      %add3A_321 = arith.addi %rem3A_312, %select_n3A_311 : i32
      %select_n3A_322 = arith.select %and3A_320, %add3A_321, %rem3A_312 : i32
      %mul3A_323 = arith.constant 128 : i32
      %mul3A_324 = arith.muli %select_n3A_322, %mul3A_323 : i32
      %jit3A_325 = arith.constant 16 : i32
      %div3A_326 = arith.divsi %add3A_306, %jit3A_325 : i32
      %sign3A_327 = arith.constant 0 : i32
      %sign3A_328 = arith.cmpi sgt, %add3A_306, %sign3A_327 : i32
      %sign3A_329 = arith.extui %sign3A_328 : i1 to i32
      %sign3A_330 = arith.constant 0 : i32
      %sign3A_331 = arith.cmpi slt, %add3A_306, %sign3A_330 : i32
      %sign3A_332 = arith.extui %sign3A_331 : i1 to i32
      %sign3A_333 = arith.subi %sign3A_329, %sign3A_332 : i32
      %sign3A_334 = arith.constant 0 : i32
      %sign3A_335 = arith.cmpi sgt, %jit3A_325, %sign3A_334 : i32
      %sign3A_336 = arith.extui %sign3A_335 : i1 to i32
      %sign3A_337 = arith.constant 0 : i32
      %sign3A_338 = arith.cmpi slt, %jit3A_325, %sign3A_337 : i32
      %sign3A_339 = arith.extui %sign3A_338 : i1 to i32
      %sign3A_340 = arith.subi %sign3A_336, %sign3A_339 : i32
      %ne3A_341 = arith.cmpi ne, %sign3A_333, %sign3A_340 : i32
      %rem3A_342 = arith.remsi %add3A_306, %jit3A_325 : i32
      %ne3A_343 = arith.constant 0 : i32
      %ne3A_344 = arith.cmpi ne, %rem3A_342, %ne3A_343 : i32
      %and3A_345 = arith.andi %ne3A_341, %ne3A_344 : i1
      %sub3A_346 = arith.constant 1 : i32
      %sub3A_347 = arith.subi %div3A_326, %sub3A_346 : i32
      %select_n3A_348 = arith.select %and3A_345, %sub3A_347, %div3A_326 : i32
      %jit3A_349 = arith.constant 16 : i32
      %eq3A_350 = arith.constant 0 : i32
      %eq3A_351 = arith.cmpi eq, %jit3A_349, %eq3A_350 : i32
      %jit3A_352 = arith.constant 1 : i32
      %select_n3A_353 = arith.select %eq3A_351, %jit3A_352, %jit3A_349 : i32
      %rem3A_354 = arith.remsi %add3A_306, %select_n3A_353 : i32
      %ne3A_355 = arith.constant 0 : i32
      %ne3A_356 = arith.cmpi ne, %rem3A_354, %ne3A_355 : i32
      %lt3A_357 = arith.constant 0 : i32
      %lt3A_358 = arith.cmpi slt, %rem3A_354, %lt3A_357 : i32
      %lt3A_359 = arith.constant 0 : i32
      %lt3A_360 = arith.cmpi slt, %select_n3A_353, %lt3A_359 : i32
      %ne3A_361 = arith.xori %lt3A_358, %lt3A_360 : i1
      %and3A_362 = arith.andi %ne3A_361, %ne3A_356 : i1
      %add3A_363 = arith.addi %rem3A_354, %select_n3A_353 : i32
      %select_n3A_364 = arith.select %and3A_362, %add3A_363, %rem3A_354 : i32
      %add3A_365 = arith.constant 176 : i32
      %add3A_366 = arith.addi %add3A_365, %select_n3A_364 : i32
      %dma_start3A_367 = arith.constant 0 : i32
      %dma_start3A_368 = tpu.memref_slice %arg2[%select_n3A_348, %add3A_366, %mul3A_324, %dma_start3A_367] : memref<4x192x384x384xf32, #tpu.memory_space<hbm>> -> memref<1x1x128x384xf32, #tpu.memory_space<hbm>>
      %dma_start3A_369 = tpu.memref_squeeze %dma_start3A_368 : memref<1x1x128x384xf32, #tpu.memory_space<hbm>> -> memref<128x384xf32, #tpu.memory_space<hbm>>
      %dma_start3A_370 = arith.constant 0 : i32
      %dma_start3A_371 = tpu.memref_slice %arg2[%select_n3A_348, %add3A_366, %mul3A_324, %dma_start3A_370] : memref<4x192x384x384xf32, #tpu.memory_space<hbm>> -> memref<1x1x128x384xf32, #tpu.memory_space<hbm>>
      %dma_start3A_372 = tpu.memref_squeeze %dma_start3A_371 : memref<1x1x128x384xf32, #tpu.memory_space<hbm>> -> memref<128x384xf32, #tpu.memory_space<hbm>>
      tpu.enqueue_dma source(%dma_start3A_372 : memref<128x384xf32, #tpu.memory_space<hbm>>) target(%arg4 : memref<128x384xf32, #tpu.memory_space<vmem>>) target_semaphore(%arg8 : memref<!tpu.dma_semaphore, #tpu.memory_space<semaphore_mem>>)
      %dma_wait3A_373 = arith.constant 0 : i32
      %dma_wait3A_374 = arith.constant 0 : i32
      %dma_wait3A_375 = arith.constant 0 : i32
      %dma_wait3A_376 = arith.constant 0 : i32
      %dma_wait3A_377 = tpu.memref_slice %arg2[%dma_wait3A_373, %dma_wait3A_374, %dma_wait3A_375, %dma_wait3A_376] : memref<4x192x384x384xf32, #tpu.memory_space<hbm>> -> memref<1x1x128x384xf32, #tpu.memory_space<hbm>>
      %dma_wait3A_378 = tpu.memref_squeeze %dma_wait3A_377 : memref<1x1x128x384xf32, #tpu.memory_space<hbm>> -> memref<128x384xf32, #tpu.memory_space<hbm>>
      %dma_wait3A_379 = arith.constant 0 : i32
      %dma_wait3A_380 = arith.constant 0 : i32
      %dma_wait3A_381 = tpu.memref_slice %arg2[%dma_wait3A_373, %dma_wait3A_374, %dma_wait3A_379, %dma_wait3A_380] : memref<4x192x384x384xf32, #tpu.memory_space<hbm>> -> memref<1x1x128x384xf32, #tpu.memory_space<hbm>>
      %dma_wait3A_382 = tpu.memref_squeeze %dma_wait3A_381 : memref<1x1x128x384xf32, #tpu.memory_space<hbm>> -> memref<128x384xf32, #tpu.memory_space<hbm>>
      tpu.wait_dma2 semaphore(%arg9 : memref<!tpu.dma_semaphore, #tpu.memory_space<semaphore_mem>>) src(%dma_wait3A_382 : memref<128x384xf32, #tpu.memory_space<hbm>>) dst(%arg5 : memref<128x384xf32, #tpu.memory_space<vmem>>)
      %add3A_383 = arith.constant 1 : i32
      %add3A_384 = arith.addi %mul3A_235, %add3A_383 : i32
      %broadcast_in_dim3A_385 = arith.constant 0.000000e+00 : f32
      %broadcast_in_dim3A_386 = vector.broadcast %broadcast_in_dim3A_385 : f32 to vector<16xf32>
      %broadcast_in_dim3A_387 = arith.constant 0.000000e+00 : f32
      %broadcast_in_dim3A_388 = vector.broadcast %broadcast_in_dim3A_387 : f32 to vector<16xf32>
      %broadcast_in_dim3A_389 = arith.constant 0.000000e+00 : f32
      %broadcast_in_dim3A_390 = vector.broadcast %broadcast_in_dim3A_389 : f32 to vector<16xf32>
      %broadcast_in_dim3A_391 = arith.constant 0.000000e+00 : f32
      %broadcast_in_dim3A_392 = vector.broadcast %broadcast_in_dim3A_391 : f32 to vector<16xf32>
      %broadcast_in_dim3A_393 = arith.constant 0.000000e+00 : f32
      %broadcast_in_dim3A_394 = vector.broadcast %broadcast_in_dim3A_393 : f32 to vector<16xf32>
      %broadcast_in_dim3A_395 = arith.constant 0.000000e+00 : f32
      %broadcast_in_dim3A_396 = vector.broadcast %broadcast_in_dim3A_395 : f32 to vector<16xf32>
      %broadcast_in_dim3A_397 = arith.constant 0.000000e+00 : f32
      %broadcast_in_dim3A_398 = vector.broadcast %broadcast_in_dim3A_397 : f32 to vector<16xf32>
      %broadcast_in_dim3A_399 = arith.constant 0.000000e+00 : f32
      %broadcast_in_dim3A_400 = vector.broadcast %broadcast_in_dim3A_399 : f32 to vector<16xf32>
      %scan3A_401 = arith.constant 0 : i32
      %scan3A_402 = arith.constant 128 : i32
      %scan3A_403 = arith.addi %scan3A_401, %scan3A_402 : i32
      %scan3A_404 = arith.constant 1 : i32
      %scan3A_405:8 = scf.for %scan3A_512 = %scan3A_401 to %scan3A_403 step %scan3A_404 iter_args(%scan3A_513 = %broadcast_in_dim3A_386, %scan3A_514 = %broadcast_in_dim3A_388, %scan3A_515 = %broadcast_in_dim3A_390, %scan3A_516 = %broadcast_in_dim3A_392, %scan3A_517 = %broadcast_in_dim3A_394, %scan3A_518 = %broadcast_in_dim3A_396, %scan3A_519 = %broadcast_in_dim3A_398, %scan3A_520 = %broadcast_in_dim3A_400) -> (vector<16xf32>, vector<16xf32>, vector<16xf32>, vector<16xf32>, vector<16xf32>, vector<16xf32>, vector<16xf32>, vector<16xf32>)  : i32 {
        %get3A_521 = arith.index_cast %scan3A_512 : i32 to index
        %get3A_522 = arith.constant 0 : index
        %get3A_523 = tpu.vector_load %arg5[%get3A_521, %get3A_522] {strides = array<i32>} : memref<128x384xf32, #tpu.memory_space<vmem>>, vector<1x16xf32>,
        %get3A_524 = vector.shape_cast %get3A_523 : vector<1x16xf32> to vector<16xf32>
        %add3A_525 = arith.addf %scan3A_513, %get3A_524 : vector<16xf32>
        %get3A_526 = arith.index_cast %scan3A_512 : i32 to index
        %get3A_527 = arith.constant 16 : index
        %get3A_528 = tpu.vector_load %arg5[%get3A_526, %get3A_527] {strides = array<i32>} : memref<128x384xf32, #tpu.memory_space<vmem>>, vector<1x16xf32>,
        %get3A_529 = vector.shape_cast %get3A_528 : vector<1x16xf32> to vector<16xf32>
        %add3A_530 = arith.addf %add3A_525, %get3A_529 : vector<16xf32>
        %get3A_531 = arith.index_cast %scan3A_512 : i32 to index
        %get3A_532 = arith.constant 32 : index
        %get3A_533 = tpu.vector_load %arg5[%get3A_531, %get3A_532] {strides = array<i32>} : memref<128x384xf32, #tpu.memory_space<vmem>>, vector<1x16xf32>,
        %get3A_534 = vector.shape_cast %get3A_533 : vector<1x16xf32> to vector<16xf32>
        %add3A_535 = arith.addf %add3A_530, %get3A_534 : vector<16xf32>
        %get3A_536 = arith.index_cast %scan3A_512 : i32 to index
        %get3A_537 = arith.constant 48 : index
        %get3A_538 = tpu.vector_load %arg5[%get3A_536, %get3A_537] {strides = array<i32>} : memref<128x384xf32, #tpu.memory_space<vmem>>, vector<1x16xf32>,
        %get3A_539 = vector.shape_cast %get3A_538 : vector<1x16xf32> to vector<16xf32>
        %add3A_540 = arith.addf %scan3A_514, %get3A_539 : vector<16xf32>
        %get3A_541 = arith.index_cast %scan3A_512 : i32 to index
        %get3A_542 = arith.constant 64 : index
        %get3A_543 = tpu.vector_load %arg5[%get3A_541, %get3A_542] {strides = array<i32>} : memref<128x384xf32, #tpu.memory_space<vmem>>, vector<1x16xf32>,
        %get3A_544 = vector.shape_cast %get3A_543 : vector<1x16xf32> to vector<16xf32>
        %add3A_545 = arith.addf %add3A_540, %get3A_544 : vector<16xf32>
        %get3A_546 = arith.index_cast %scan3A_512 : i32 to index
        %get3A_547 = arith.constant 80 : index
        %get3A_548 = tpu.vector_load %arg5[%get3A_546, %get3A_547] {strides = array<i32>} : memref<128x384xf32, #tpu.memory_space<vmem>>, vector<1x16xf32>,
        %get3A_549 = vector.shape_cast %get3A_548 : vector<1x16xf32> to vector<16xf32>
        %add3A_550 = arith.addf %add3A_545, %get3A_549 : vector<16xf32>
        %get3A_551 = arith.index_cast %scan3A_512 : i32 to index
        %get3A_552 = arith.constant 96 : index
        %get3A_553 = tpu.vector_load %arg5[%get3A_551, %get3A_552] {strides = array<i32>} : memref<128x384xf32, #tpu.memory_space<vmem>>, vector<1x16xf32>,
        %get3A_554 = vector.shape_cast %get3A_553 : vector<1x16xf32> to vector<16xf32>
        %add3A_555 = arith.addf %scan3A_515, %get3A_554 : vector<16xf32>
        %get3A_556 = arith.index_cast %scan3A_512 : i32 to index
        %get3A_557 = arith.constant 112 : index
        %get3A_558 = tpu.vector_load %arg5[%get3A_556, %get3A_557] {strides = array<i32>} : memref<128x384xf32, #tpu.memory_space<vmem>>, vector<1x16xf32>,
        %get3A_559 = vector.shape_cast %get3A_558 : vector<1x16xf32> to vector<16xf32>
        %add3A_560 = arith.addf %add3A_555, %get3A_559 : vector<16xf32>
        %get3A_561 = arith.index_cast %scan3A_512 : i32 to index
        %get3A_562 = arith.constant 128 : index
        %get3A_563 = tpu.vector_load %arg5[%get3A_561, %get3A_562] {strides = array<i32>} : memref<128x384xf32, #tpu.memory_space<vmem>>, vector<1x16xf32>,
        %get3A_564 = vector.shape_cast %get3A_563 : vector<1x16xf32> to vector<16xf32>
        %add3A_565 = arith.addf %add3A_560, %get3A_564 : vector<16xf32>
        %get3A_566 = arith.index_cast %scan3A_512 : i32 to index
        %get3A_567 = arith.constant 144 : index
        %get3A_568 = tpu.vector_load %arg5[%get3A_566, %get3A_567] {strides = array<i32>} : memref<128x384xf32, #tpu.memory_space<vmem>>, vector<1x16xf32>,
        %get3A_569 = vector.shape_cast %get3A_568 : vector<1x16xf32> to vector<16xf32>
        %add3A_570 = arith.addf %scan3A_516, %get3A_569 : vector<16xf32>
        %get3A_571 = arith.index_cast %scan3A_512 : i32 to index
        %get3A_572 = arith.constant 160 : index
        %get3A_573 = tpu.vector_load %arg5[%get3A_571, %get3A_572] {strides = array<i32>} : memref<128x384xf32, #tpu.memory_space<vmem>>, vector<1x16xf32>,
        %get3A_574 = vector.shape_cast %get3A_573 : vector<1x16xf32> to vector<16xf32>
        %add3A_575 = arith.addf %add3A_570, %get3A_574 : vector<16xf32>
        %get3A_576 = arith.index_cast %scan3A_512 : i32 to index
        %get3A_577 = arith.constant 176 : index
        %get3A_578 = tpu.vector_load %arg5[%get3A_576, %get3A_577] {strides = array<i32>} : memref<128x384xf32, #tpu.memory_space<vmem>>, vector<1x16xf32>,
        %get3A_579 = vector.shape_cast %get3A_578 : vector<1x16xf32> to vector<16xf32>
        %add3A_580 = arith.addf %add3A_575, %get3A_579 : vector<16xf32>
        %get3A_581 = arith.index_cast %scan3A_512 : i32 to index
        %get3A_582 = arith.constant 192 : index
        %get3A_583 = tpu.vector_load %arg5[%get3A_581, %get3A_582] {strides = array<i32>} : memref<128x384xf32, #tpu.memory_space<vmem>>, vector<1x16xf32>,
        %get3A_584 = vector.shape_cast %get3A_583 : vector<1x16xf32> to vector<16xf32>
        %add3A_585 = arith.addf %scan3A_517, %get3A_584 : vector<16xf32>
        %get3A_586 = arith.index_cast %scan3A_512 : i32 to index
        %get3A_587 = arith.constant 208 : index
        %get3A_588 = tpu.vector_load %arg5[%get3A_586, %get3A_587] {strides = array<i32>} : memref<128x384xf32, #tpu.memory_space<vmem>>, vector<1x16xf32>,
        %get3A_589 = vector.shape_cast %get3A_588 : vector<1x16xf32> to vector<16xf32>
        %add3A_590 = arith.addf %add3A_585, %get3A_589 : vector<16xf32>
        %get3A_591 = arith.index_cast %scan3A_512 : i32 to index
        %get3A_592 = arith.constant 224 : index
        %get3A_593 = tpu.vector_load %arg5[%get3A_591, %get3A_592] {strides = array<i32>} : memref<128x384xf32, #tpu.memory_space<vmem>>, vector<1x16xf32>,
        %get3A_594 = vector.shape_cast %get3A_593 : vector<1x16xf32> to vector<16xf32>
        %add3A_595 = arith.addf %add3A_590, %get3A_594 : vector<16xf32>
        %get3A_596 = arith.index_cast %scan3A_512 : i32 to index
        %get3A_597 = arith.constant 240 : index
        %get3A_598 = tpu.vector_load %arg5[%get3A_596, %get3A_597] {strides = array<i32>} : memref<128x384xf32, #tpu.memory_space<vmem>>, vector<1x16xf32>,
        %get3A_599 = vector.shape_cast %get3A_598 : vector<1x16xf32> to vector<16xf32>
        %add3A_600 = arith.addf %scan3A_518, %get3A_599 : vector<16xf32>
        %get3A_601 = arith.index_cast %scan3A_512 : i32 to index
        %get3A_602 = arith.constant 256 : index
        %get3A_603 = tpu.vector_load %arg5[%get3A_601, %get3A_602] {strides = array<i32>} : memref<128x384xf32, #tpu.memory_space<vmem>>, vector<1x16xf32>,
        %get3A_604 = vector.shape_cast %get3A_603 : vector<1x16xf32> to vector<16xf32>
        %add3A_605 = arith.addf %add3A_600, %get3A_604 : vector<16xf32>
        %get3A_606 = arith.index_cast %scan3A_512 : i32 to index
        %get3A_607 = arith.constant 272 : index
        %get3A_608 = tpu.vector_load %arg5[%get3A_606, %get3A_607] {strides = array<i32>} : memref<128x384xf32, #tpu.memory_space<vmem>>, vector<1x16xf32>,
        %get3A_609 = vector.shape_cast %get3A_608 : vector<1x16xf32> to vector<16xf32>
        %add3A_610 = arith.addf %add3A_605, %get3A_609 : vector<16xf32>
        %get3A_611 = arith.index_cast %scan3A_512 : i32 to index
        %get3A_612 = arith.constant 288 : index
        %get3A_613 = tpu.vector_load %arg5[%get3A_611, %get3A_612] {strides = array<i32>} : memref<128x384xf32, #tpu.memory_space<vmem>>, vector<1x16xf32>,
        %get3A_614 = vector.shape_cast %get3A_613 : vector<1x16xf32> to vector<16xf32>
        %add3A_615 = arith.addf %scan3A_519, %get3A_614 : vector<16xf32>
        %get3A_616 = arith.index_cast %scan3A_512 : i32 to index
        %get3A_617 = arith.constant 304 : index
        %get3A_618 = tpu.vector_load %arg5[%get3A_616, %get3A_617] {strides = array<i32>} : memref<128x384xf32, #tpu.memory_space<vmem>>, vector<1x16xf32>,
        %get3A_619 = vector.shape_cast %get3A_618 : vector<1x16xf32> to vector<16xf32>
        %add3A_620 = arith.addf %add3A_615, %get3A_619 : vector<16xf32>
        %get3A_621 = arith.index_cast %scan3A_512 : i32 to index
        %get3A_622 = arith.constant 320 : index
        %get3A_623 = tpu.vector_load %arg5[%get3A_621, %get3A_622] {strides = array<i32>} : memref<128x384xf32, #tpu.memory_space<vmem>>, vector<1x16xf32>,
        %get3A_624 = vector.shape_cast %get3A_623 : vector<1x16xf32> to vector<16xf32>
        %add3A_625 = arith.addf %add3A_620, %get3A_624 : vector<16xf32>
        %get3A_626 = arith.index_cast %scan3A_512 : i32 to index
        %get3A_627 = arith.constant 336 : index
        %get3A_628 = tpu.vector_load %arg5[%get3A_626, %get3A_627] {strides = array<i32>} : memref<128x384xf32, #tpu.memory_space<vmem>>, vector<1x16xf32>,
        %get3A_629 = vector.shape_cast %get3A_628 : vector<1x16xf32> to vector<16xf32>
        %add3A_630 = arith.addf %scan3A_520, %get3A_629 : vector<16xf32>
        %get3A_631 = arith.index_cast %scan3A_512 : i32 to index
        %get3A_632 = arith.constant 352 : index
        %get3A_633 = tpu.vector_load %arg5[%get3A_631, %get3A_632] {strides = array<i32>} : memref<128x384xf32, #tpu.memory_space<vmem>>, vector<1x16xf32>,
        %get3A_634 = vector.shape_cast %get3A_633 : vector<1x16xf32> to vector<16xf32>
        %add3A_635 = arith.addf %add3A_630, %get3A_634 : vector<16xf32>
        %get3A_636 = arith.index_cast %scan3A_512 : i32 to index
        %get3A_637 = arith.constant 368 : index
        %get3A_638 = tpu.vector_load %arg5[%get3A_636, %get3A_637] {strides = array<i32>} : memref<128x384xf32, #tpu.memory_space<vmem>>, vector<1x16xf32>,
        %get3A_639 = vector.shape_cast %get3A_638 : vector<1x16xf32> to vector<16xf32>
        %add3A_640 = arith.addf %add3A_635, %get3A_639 : vector<16xf32>
        scf.yield %add3A_535, %add3A_550, %add3A_565, %add3A_580, %add3A_595, %add3A_610, %add3A_625, %add3A_640 : vector<16xf32>, vector<16xf32>, vector<16xf32>, vector<16xf32>, vector<16xf32>, vector<16xf32>, vector<16xf32>, vector<16xf32>
      }
      %scan3A_406 = arith.constant 128 : i32
      %add3A_407 = arith.addf %scan3A_405#0, %scan3A_405#1 : vector<16xf32>
      %add3A_408 = arith.addf %add3A_407, %scan3A_405#2 : vector<16xf32>
      %add3A_409 = arith.addf %add3A_408, %scan3A_405#3 : vector<16xf32>
      %add3A_410 = arith.addf %add3A_409, %scan3A_405#4 : vector<16xf32>
      %add3A_411 = arith.addf %add3A_410, %scan3A_405#5 : vector<16xf32>
      %add3A_412 = arith.addf %add3A_411, %scan3A_405#6 : vector<16xf32>
      %add3A_413 = arith.addf %add3A_412, %scan3A_405#7 : vector<16xf32>
      %swap3A_414 = arith.index_cast %add3A_384 : i32 to index
      %swap3A_415 = arith.constant 0 : index
      %swap3A_416 = tpu.vector_load %arg6[%swap3A_414, %swap3A_415] {strides = array<i32>} : memref<6x16xf32, #tpu.memory_space<vmem>>, vector<1x16xf32>,
      %swap3A_417 = vector.shape_cast %swap3A_416 : vector<1x16xf32> to vector<16xf32>
      %swap3A_418 = vector.shape_cast %add3A_413 : vector<16xf32> to vector<1x16xf32>
      tpu.vector_store %arg6[%swap3A_414, %swap3A_415], %swap3A_418 {strides = array<i32>} : memref<6x16xf32, #tpu.memory_space<vmem>>, vector<1x16xf32>,
      %add3A_419 = arith.constant 3 : i32
      %add3A_420 = arith.addi %mul3A_235, %add3A_419 : i32
      %jit3A_421 = arith.constant 3 : i32
      %div3A_422 = arith.divsi %add3A_420, %jit3A_421 : i32
      %sign3A_423 = arith.constant 0 : i32
      %sign3A_424 = arith.cmpi sgt, %add3A_420, %sign3A_423 : i32
      %sign3A_425 = arith.extui %sign3A_424 : i1 to i32
      %sign3A_426 = arith.constant 0 : i32
      %sign3A_427 = arith.cmpi slt, %add3A_420, %sign3A_426 : i32
      %sign3A_428 = arith.extui %sign3A_427 : i1 to i32
      %sign3A_429 = arith.subi %sign3A_425, %sign3A_428 : i32
      %sign3A_430 = arith.constant 0 : i32
      %sign3A_431 = arith.cmpi sgt, %jit3A_421, %sign3A_430 : i32
      %sign3A_432 = arith.extui %sign3A_431 : i1 to i32
      %sign3A_433 = arith.constant 0 : i32
      %sign3A_434 = arith.cmpi slt, %jit3A_421, %sign3A_433 : i32
      %sign3A_435 = arith.extui %sign3A_434 : i1 to i32
      %sign3A_436 = arith.subi %sign3A_432, %sign3A_435 : i32
      %ne3A_437 = arith.cmpi ne, %sign3A_429, %sign3A_436 : i32
      %rem3A_438 = arith.remsi %add3A_420, %jit3A_421 : i32
      %ne3A_439 = arith.constant 0 : i32
      %ne3A_440 = arith.cmpi ne, %rem3A_438, %ne3A_439 : i32
      %and3A_441 = arith.andi %ne3A_437, %ne3A_440 : i1
      %sub3A_442 = arith.constant 1 : i32
      %sub3A_443 = arith.subi %div3A_422, %sub3A_442 : i32
      %select_n3A_444 = arith.select %and3A_441, %sub3A_443, %div3A_422 : i32
      %add3A_445 = arith.addi %mul3A_2, %select_n3A_444 : i32
      %jit3A_446 = arith.constant 3 : i32
      %eq3A_447 = arith.constant 0 : i32
      %eq3A_448 = arith.cmpi eq, %jit3A_446, %eq3A_447 : i32
      %jit3A_449 = arith.constant 1 : i32
      %select_n3A_450 = arith.select %eq3A_448, %jit3A_449, %jit3A_446 : i32
      %rem3A_451 = arith.remsi %add3A_420, %select_n3A_450 : i32
      %ne3A_452 = arith.constant 0 : i32
      %ne3A_453 = arith.cmpi ne, %rem3A_451, %ne3A_452 : i32
      %lt3A_454 = arith.constant 0 : i32
      %lt3A_455 = arith.cmpi slt, %rem3A_451, %lt3A_454 : i32
      %lt3A_456 = arith.constant 0 : i32
      %lt3A_457 = arith.cmpi slt, %select_n3A_450, %lt3A_456 : i32
      %ne3A_458 = arith.xori %lt3A_455, %lt3A_457 : i1
      %and3A_459 = arith.andi %ne3A_458, %ne3A_453 : i1
      %add3A_460 = arith.addi %rem3A_451, %select_n3A_450 : i32
      %select_n3A_461 = arith.select %and3A_459, %add3A_460, %rem3A_451 : i32
      %mul3A_462 = arith.constant 128 : i32
      %mul3A_463 = arith.muli %select_n3A_461, %mul3A_462 : i32
      %jit3A_464 = arith.constant 16 : i32
      %div3A_465 = arith.divsi %add3A_445, %jit3A_464 : i32
      %sign3A_466 = arith.constant 0 : i32
      %sign3A_467 = arith.cmpi sgt, %add3A_445, %sign3A_466 : i32
      %sign3A_468 = arith.extui %sign3A_467 : i1 to i32
      %sign3A_469 = arith.constant 0 : i32
      %sign3A_470 = arith.cmpi slt, %add3A_445, %sign3A_469 : i32
      %sign3A_471 = arith.extui %sign3A_470 : i1 to i32
      %sign3A_472 = arith.subi %sign3A_468, %sign3A_471 : i32
      %sign3A_473 = arith.constant 0 : i32
      %sign3A_474 = arith.cmpi sgt, %jit3A_464, %sign3A_473 : i32
      %sign3A_475 = arith.extui %sign3A_474 : i1 to i32
      %sign3A_476 = arith.constant 0 : i32
      %sign3A_477 = arith.cmpi slt, %jit3A_464, %sign3A_476 : i32
      %sign3A_478 = arith.extui %sign3A_477 : i1 to i32
      %sign3A_479 = arith.subi %sign3A_475, %sign3A_478 : i32
      %ne3A_480 = arith.cmpi ne, %sign3A_472, %sign3A_479 : i32
      %rem3A_481 = arith.remsi %add3A_445, %jit3A_464 : i32
      %ne3A_482 = arith.constant 0 : i32
      %ne3A_483 = arith.cmpi ne, %rem3A_481, %ne3A_482 : i32
      %and3A_484 = arith.andi %ne3A_480, %ne3A_483 : i1
      %sub3A_485 = arith.constant 1 : i32
      %sub3A_486 = arith.subi %div3A_465, %sub3A_485 : i32
      %select_n3A_487 = arith.select %and3A_484, %sub3A_486, %div3A_465 : i32
      %jit3A_488 = arith.constant 16 : i32
      %eq3A_489 = arith.constant 0 : i32
      %eq3A_490 = arith.cmpi eq, %jit3A_488, %eq3A_489 : i32
      %jit3A_491 = arith.constant 1 : i32
      %select_n3A_492 = arith.select %eq3A_490, %jit3A_491, %jit3A_488 : i32
      %rem3A_493 = arith.remsi %add3A_445, %select_n3A_492 : i32
      %ne3A_494 = arith.constant 0 : i32
      %ne3A_495 = arith.cmpi ne, %rem3A_493, %ne3A_494 : i32
      %lt3A_496 = arith.constant 0 : i32
      %lt3A_497 = arith.cmpi slt, %rem3A_493, %lt3A_496 : i32
      %lt3A_498 = arith.constant 0 : i32
      %lt3A_499 = arith.cmpi slt, %select_n3A_492, %lt3A_498 : i32
      %ne3A_500 = arith.xori %lt3A_497, %lt3A_499 : i1
      %and3A_501 = arith.andi %ne3A_500, %ne3A_495 : i1
      %add3A_502 = arith.addi %rem3A_493, %select_n3A_492 : i32
      %select_n3A_503 = arith.select %and3A_501, %add3A_502, %rem3A_493 : i32
      %add3A_504 = arith.constant 176 : i32
      %add3A_505 = arith.addi %add3A_504, %select_n3A_503 : i32
      %dma_start3A_506 = arith.constant 0 : i32
      %dma_start3A_507 = tpu.memref_slice %arg2[%select_n3A_487, %add3A_505, %mul3A_463, %dma_start3A_506] : memref<4x192x384x384xf32, #tpu.memory_space<hbm>> -> memref<1x1x128x384xf32, #tpu.memory_space<hbm>>
      %dma_start3A_508 = tpu.memref_squeeze %dma_start3A_507 : memref<1x1x128x384xf32, #tpu.memory_space<hbm>> -> memref<128x384xf32, #tpu.memory_space<hbm>>
      %dma_start3A_509 = arith.constant 0 : i32
      %dma_start3A_510 = tpu.memref_slice %arg2[%select_n3A_487, %add3A_505, %mul3A_463, %dma_start3A_509] : memref<4x192x384x384xf32, #tpu.memory_space<hbm>> -> memref<1x1x128x384xf32, #tpu.memory_space<hbm>>
      %dma_start3A_511 = tpu.memref_squeeze %dma_start3A_510 : memref<1x1x128x384xf32, #tpu.memory_space<hbm>> -> memref<128x384xf32, #tpu.memory_space<hbm>>
      tpu.enqueue_dma source(%dma_start3A_511 : memref<128x384xf32, #tpu.memory_space<hbm>>) target(%arg5 : memref<128x384xf32, #tpu.memory_space<vmem>>) target_semaphore(%arg9 : memref<!tpu.dma_semaphore, #tpu.memory_space<semaphore_mem>>)
    }
    %scan3A_100 = arith.constant 2 : i32
    %dma_wait3A = arith.constant 0 : i32
    %dma_wait3A_101 = arith.constant 0 : i32
    %dma_wait3A_102 = arith.constant 0 : i32
    %dma_wait3A_103 = arith.constant 0 : i32
    %dma_wait3A_104 = tpu.memref_slice %arg2[%dma_wait3A, %dma_wait3A_101, %dma_wait3A_102, %dma_wait3A_103] : memref<4x192x384x384xf32, #tpu.memory_space<hbm>> -> memref<1x1x128x384xf32, #tpu.memory_space<hbm>>
    %dma_wait3A_105 = tpu.memref_squeeze %dma_wait3A_104 : memref<1x1x128x384xf32, #tpu.memory_space<hbm>> -> memref<128x384xf32, #tpu.memory_space<hbm>>
    %dma_wait3A_106 = arith.constant 0 : i32
    %dma_wait3A_107 = arith.constant 0 : i32
    %dma_wait3A_108 = tpu.memref_slice %arg2[%dma_wait3A, %dma_wait3A_101, %dma_wait3A_106, %dma_wait3A_107] : memref<4x192x384x384xf32, #tpu.memory_space<hbm>> -> memref<1x1x128x384xf32, #tpu.memory_space<hbm>>
    %dma_wait3A_109 = tpu.memref_squeeze %dma_wait3A_108 : memref<1x1x128x384xf32, #tpu.memory_space<hbm>> -> memref<128x384xf32, #tpu.memory_space<hbm>>
    tpu.wait_dma2 semaphore(%arg8 : memref<!tpu.dma_semaphore, #tpu.memory_space<semaphore_mem>>) src(%dma_wait3A_109 : memref<128x384xf32, #tpu.memory_space<hbm>>) dst(%arg4 : memref<128x384xf32, #tpu.memory_space<vmem>>)
    %broadcast_in_dim3A = arith.constant 0.000000e+00 : f32
    %broadcast_in_dim3A_110 = vector.broadcast %broadcast_in_dim3A : f32 to vector<16xf32>
    %broadcast_in_dim3A_111 = arith.constant 0.000000e+00 : f32
    %broadcast_in_dim3A_112 = vector.broadcast %broadcast_in_dim3A_111 : f32 to vector<16xf32>
    %broadcast_in_dim3A_113 = arith.constant 0.000000e+00 : f32
    %broadcast_in_dim3A_114 = vector.broadcast %broadcast_in_dim3A_113 : f32 to vector<16xf32>
    %broadcast_in_dim3A_115 = arith.constant 0.000000e+00 : f32
    %broadcast_in_dim3A_116 = vector.broadcast %broadcast_in_dim3A_115 : f32 to vector<16xf32>
    %broadcast_in_dim3A_117 = arith.constant 0.000000e+00 : f32
    %broadcast_in_dim3A_118 = vector.broadcast %broadcast_in_dim3A_117 : f32 to vector<16xf32>
    %broadcast_in_dim3A_119 = arith.constant 0.000000e+00 : f32
    %broadcast_in_dim3A_120 = vector.broadcast %broadcast_in_dim3A_119 : f32 to vector<16xf32>
    %broadcast_in_dim3A_121 = arith.constant 0.000000e+00 : f32
    %broadcast_in_dim3A_122 = vector.broadcast %broadcast_in_dim3A_121 : f32 to vector<16xf32>
    %broadcast_in_dim3A_123 = arith.constant 0.000000e+00 : f32
    %broadcast_in_dim3A_124 = vector.broadcast %broadcast_in_dim3A_123 : f32 to vector<16xf32>
    %scan3A_125 = arith.constant 0 : i32
    %scan3A_126 = arith.constant 128 : i32
    %scan3A_127 = arith.addi %scan3A_125, %scan3A_126 : i32
    %scan3A_128 = arith.constant 1 : i32
    %scan3A_129:8 = scf.for %scan3A_233 = %scan3A_125 to %scan3A_127 step %scan3A_128 iter_args(%scan3A_234 = %broadcast_in_dim3A_110, %scan3A_235 = %broadcast_in_dim3A_112, %scan3A_236 = %broadcast_in_dim3A_114, %scan3A_237 = %broadcast_in_dim3A_116, %scan3A_238 = %broadcast_in_dim3A_118, %scan3A_239 = %broadcast_in_dim3A_120, %scan3A_240 = %broadcast_in_dim3A_122, %scan3A_241 = %broadcast_in_dim3A_124) -> (vector<16xf32>, vector<16xf32>, vector<16xf32>, vector<16xf32>, vector<16xf32>, vector<16xf32>, vector<16xf32>, vector<16xf32>)  : i32 {
      %get3A_242 = arith.index_cast %scan3A_233 : i32 to index
      %get3A_243 = arith.constant 0 : index
      %get3A_244 = tpu.vector_load %arg4[%get3A_242, %get3A_243] {strides = array<i32>} : memref<128x384xf32, #tpu.memory_space<vmem>>, vector<1x16xf32>,
      %get3A_245 = vector.shape_cast %get3A_244 : vector<1x16xf32> to vector<16xf32>
      %add3A_246 = arith.addf %scan3A_234, %get3A_245 : vector<16xf32>
      %get3A_247 = arith.index_cast %scan3A_233 : i32 to index
      %get3A_248 = arith.constant 16 : index
      %get3A_249 = tpu.vector_load %arg4[%get3A_247, %get3A_248] {strides = array<i32>} : memref<128x384xf32, #tpu.memory_space<vmem>>, vector<1x16xf32>,
      %get3A_250 = vector.shape_cast %get3A_249 : vector<1x16xf32> to vector<16xf32>
      %add3A_251 = arith.addf %add3A_246, %get3A_250 : vector<16xf32>
      %get3A_252 = arith.index_cast %scan3A_233 : i32 to index
      %get3A_253 = arith.constant 32 : index
      %get3A_254 = tpu.vector_load %arg4[%get3A_252, %get3A_253] {strides = array<i32>} : memref<128x384xf32, #tpu.memory_space<vmem>>, vector<1x16xf32>,
      %get3A_255 = vector.shape_cast %get3A_254 : vector<1x16xf32> to vector<16xf32>
      %add3A_256 = arith.addf %add3A_251, %get3A_255 : vector<16xf32>
      %get3A_257 = arith.index_cast %scan3A_233 : i32 to index
      %get3A_258 = arith.constant 48 : index
      %get3A_259 = tpu.vector_load %arg4[%get3A_257, %get3A_258] {strides = array<i32>} : memref<128x384xf32, #tpu.memory_space<vmem>>, vector<1x16xf32>,
      %get3A_260 = vector.shape_cast %get3A_259 : vector<1x16xf32> to vector<16xf32>
      %add3A_261 = arith.addf %scan3A_235, %get3A_260 : vector<16xf32>
      %get3A_262 = arith.index_cast %scan3A_233 : i32 to index
      %get3A_263 = arith.constant 64 : index
      %get3A_264 = tpu.vector_load %arg4[%get3A_262, %get3A_263] {strides = array<i32>} : memref<128x384xf32, #tpu.memory_space<vmem>>, vector<1x16xf32>,
      %get3A_265 = vector.shape_cast %get3A_264 : vector<1x16xf32> to vector<16xf32>
      %add3A_266 = arith.addf %add3A_261, %get3A_265 : vector<16xf32>
      %get3A_267 = arith.index_cast %scan3A_233 : i32 to index
      %get3A_268 = arith.constant 80 : index
      %get3A_269 = tpu.vector_load %arg4[%get3A_267, %get3A_268] {strides = array<i32>} : memref<128x384xf32, #tpu.memory_space<vmem>>, vector<1x16xf32>,
      %get3A_270 = vector.shape_cast %get3A_269 : vector<1x16xf32> to vector<16xf32>
      %add3A_271 = arith.addf %add3A_266, %get3A_270 : vector<16xf32>
      %get3A_272 = arith.index_cast %scan3A_233 : i32 to index
      %get3A_273 = arith.constant 96 : index
      %get3A_274 = tpu.vector_load %arg4[%get3A_272, %get3A_273] {strides = array<i32>} : memref<128x384xf32, #tpu.memory_space<vmem>>, vector<1x16xf32>,
      %get3A_275 = vector.shape_cast %get3A_274 : vector<1x16xf32> to vector<16xf32>
      %add3A_276 = arith.addf %scan3A_236, %get3A_275 : vector<16xf32>
      %get3A_277 = arith.index_cast %scan3A_233 : i32 to index
      %get3A_278 = arith.constant 112 : index
      %get3A_279 = tpu.vector_load %arg4[%get3A_277, %get3A_278] {strides = array<i32>} : memref<128x384xf32, #tpu.memory_space<vmem>>, vector<1x16xf32>,
      %get3A_280 = vector.shape_cast %get3A_279 : vector<1x16xf32> to vector<16xf32>
      %add3A_281 = arith.addf %add3A_276, %get3A_280 : vector<16xf32>
      %get3A_282 = arith.index_cast %scan3A_233 : i32 to index
      %get3A_283 = arith.constant 128 : index
      %get3A_284 = tpu.vector_load %arg4[%get3A_282, %get3A_283] {strides = array<i32>} : memref<128x384xf32, #tpu.memory_space<vmem>>, vector<1x16xf32>,
      %get3A_285 = vector.shape_cast %get3A_284 : vector<1x16xf32> to vector<16xf32>
      %add3A_286 = arith.addf %add3A_281, %get3A_285 : vector<16xf32>
      %get3A_287 = arith.index_cast %scan3A_233 : i32 to index
      %get3A_288 = arith.constant 144 : index
      %get3A_289 = tpu.vector_load %arg4[%get3A_287, %get3A_288] {strides = array<i32>} : memref<128x384xf32, #tpu.memory_space<vmem>>, vector<1x16xf32>,
      %get3A_290 = vector.shape_cast %get3A_289 : vector<1x16xf32> to vector<16xf32>
      %add3A_291 = arith.addf %scan3A_237, %get3A_290 : vector<16xf32>
      %get3A_292 = arith.index_cast %scan3A_233 : i32 to index
      %get3A_293 = arith.constant 160 : index
      %get3A_294 = tpu.vector_load %arg4[%get3A_292, %get3A_293] {strides = array<i32>} : memref<128x384xf32, #tpu.memory_space<vmem>>, vector<1x16xf32>,
      %get3A_295 = vector.shape_cast %get3A_294 : vector<1x16xf32> to vector<16xf32>
      %add3A_296 = arith.addf %add3A_291, %get3A_295 : vector<16xf32>
      %get3A_297 = arith.index_cast %scan3A_233 : i32 to index
      %get3A_298 = arith.constant 176 : index
      %get3A_299 = tpu.vector_load %arg4[%get3A_297, %get3A_298] {strides = array<i32>} : memref<128x384xf32, #tpu.memory_space<vmem>>, vector<1x16xf32>,
      %get3A_300 = vector.shape_cast %get3A_299 : vector<1x16xf32> to vector<16xf32>
      %add3A_301 = arith.addf %add3A_296, %get3A_300 : vector<16xf32>
      %get3A_302 = arith.index_cast %scan3A_233 : i32 to index
      %get3A_303 = arith.constant 192 : index
      %get3A_304 = tpu.vector_load %arg4[%get3A_302, %get3A_303] {strides = array<i32>} : memref<128x384xf32, #tpu.memory_space<vmem>>, vector<1x16xf32>,
      %get3A_305 = vector.shape_cast %get3A_304 : vector<1x16xf32> to vector<16xf32>
      %add3A_306 = arith.addf %scan3A_238, %get3A_305 : vector<16xf32>
      %get3A_307 = arith.index_cast %scan3A_233 : i32 to index
      %get3A_308 = arith.constant 208 : index
      %get3A_309 = tpu.vector_load %arg4[%get3A_307, %get3A_308] {strides = array<i32>} : memref<128x384xf32, #tpu.memory_space<vmem>>, vector<1x16xf32>,
      %get3A_310 = vector.shape_cast %get3A_309 : vector<1x16xf32> to vector<16xf32>
      %add3A_311 = arith.addf %add3A_306, %get3A_310 : vector<16xf32>
      %get3A_312 = arith.index_cast %scan3A_233 : i32 to index
      %get3A_313 = arith.constant 224 : index
      %get3A_314 = tpu.vector_load %arg4[%get3A_312, %get3A_313] {strides = array<i32>} : memref<128x384xf32, #tpu.memory_space<vmem>>, vector<1x16xf32>,
      %get3A_315 = vector.shape_cast %get3A_314 : vector<1x16xf32> to vector<16xf32>
      %add3A_316 = arith.addf %add3A_311, %get3A_315 : vector<16xf32>
      %get3A_317 = arith.index_cast %scan3A_233 : i32 to index
      %get3A_318 = arith.constant 240 : index
      %get3A_319 = tpu.vector_load %arg4[%get3A_317, %get3A_318] {strides = array<i32>} : memref<128x384xf32, #tpu.memory_space<vmem>>, vector<1x16xf32>,
      %get3A_320 = vector.shape_cast %get3A_319 : vector<1x16xf32> to vector<16xf32>
      %add3A_321 = arith.addf %scan3A_239, %get3A_320 : vector<16xf32>
      %get3A_322 = arith.index_cast %scan3A_233 : i32 to index
      %get3A_323 = arith.constant 256 : index
      %get3A_324 = tpu.vector_load %arg4[%get3A_322, %get3A_323] {strides = array<i32>} : memref<128x384xf32, #tpu.memory_space<vmem>>, vector<1x16xf32>,
      %get3A_325 = vector.shape_cast %get3A_324 : vector<1x16xf32> to vector<16xf32>
      %add3A_326 = arith.addf %add3A_321, %get3A_325 : vector<16xf32>
      %get3A_327 = arith.index_cast %scan3A_233 : i32 to index
      %get3A_328 = arith.constant 272 : index
      %get3A_329 = tpu.vector_load %arg4[%get3A_327, %get3A_328] {strides = array<i32>} : memref<128x384xf32, #tpu.memory_space<vmem>>, vector<1x16xf32>,
      %get3A_330 = vector.shape_cast %get3A_329 : vector<1x16xf32> to vector<16xf32>
      %add3A_331 = arith.addf %add3A_326, %get3A_330 : vector<16xf32>
      %get3A_332 = arith.index_cast %scan3A_233 : i32 to index
      %get3A_333 = arith.constant 288 : index
      %get3A_334 = tpu.vector_load %arg4[%get3A_332, %get3A_333] {strides = array<i32>} : memref<128x384xf32, #tpu.memory_space<vmem>>, vector<1x16xf32>,
      %get3A_335 = vector.shape_cast %get3A_334 : vector<1x16xf32> to vector<16xf32>
      %add3A_336 = arith.addf %scan3A_240, %get3A_335 : vector<16xf32>
      %get3A_337 = arith.index_cast %scan3A_233 : i32 to index
      %get3A_338 = arith.constant 304 : index
      %get3A_339 = tpu.vector_load %arg4[%get3A_337, %get3A_338] {strides = array<i32>} : memref<128x384xf32, #tpu.memory_space<vmem>>, vector<1x16xf32>,
      %get3A_340 = vector.shape_cast %get3A_339 : vector<1x16xf32> to vector<16xf32>
      %add3A_341 = arith.addf %add3A_336, %get3A_340 : vector<16xf32>
      %get3A_342 = arith.index_cast %scan3A_233 : i32 to index
      %get3A_343 = arith.constant 320 : index
      %get3A_344 = tpu.vector_load %arg4[%get3A_342, %get3A_343] {strides = array<i32>} : memref<128x384xf32, #tpu.memory_space<vmem>>, vector<1x16xf32>,
      %get3A_345 = vector.shape_cast %get3A_344 : vector<1x16xf32> to vector<16xf32>
      %add3A_346 = arith.addf %add3A_341, %get3A_345 : vector<16xf32>
      %get3A_347 = arith.index_cast %scan3A_233 : i32 to index
      %get3A_348 = arith.constant 336 : index
      %get3A_349 = tpu.vector_load %arg4[%get3A_347, %get3A_348] {strides = array<i32>} : memref<128x384xf32, #tpu.memory_space<vmem>>, vector<1x16xf32>,
      %get3A_350 = vector.shape_cast %get3A_349 : vector<1x16xf32> to vector<16xf32>
      %add3A_351 = arith.addf %scan3A_241, %get3A_350 : vector<16xf32>
      %get3A_352 = arith.index_cast %scan3A_233 : i32 to index
      %get3A_353 = arith.constant 352 : index
      %get3A_354 = tpu.vector_load %arg4[%get3A_352, %get3A_353] {strides = array<i32>} : memref<128x384xf32, #tpu.memory_space<vmem>>, vector<1x16xf32>,
      %get3A_355 = vector.shape_cast %get3A_354 : vector<1x16xf32> to vector<16xf32>
      %add3A_356 = arith.addf %add3A_351, %get3A_355 : vector<16xf32>
      %get3A_357 = arith.index_cast %scan3A_233 : i32 to index
      %get3A_358 = arith.constant 368 : index
      %get3A_359 = tpu.vector_load %arg4[%get3A_357, %get3A_358] {strides = array<i32>} : memref<128x384xf32, #tpu.memory_space<vmem>>, vector<1x16xf32>,
      %get3A_360 = vector.shape_cast %get3A_359 : vector<1x16xf32> to vector<16xf32>
      %add3A_361 = arith.addf %add3A_356, %get3A_360 : vector<16xf32>
      scf.yield %add3A_256, %add3A_271, %add3A_286, %add3A_301, %add3A_316, %add3A_331, %add3A_346, %add3A_361 : vector<16xf32>, vector<16xf32>, vector<16xf32>, vector<16xf32>, vector<16xf32>, vector<16xf32>, vector<16xf32>, vector<16xf32>
    }
    %scan3A_130 = arith.constant 128 : i32
    %add3A_131 = arith.addf %scan3A_129#0, %scan3A_129#1 : vector<16xf32>
    %add3A_132 = arith.addf %add3A_131, %scan3A_129#2 : vector<16xf32>
    %add3A_133 = arith.addf %add3A_132, %scan3A_129#3 : vector<16xf32>
    %add3A_134 = arith.addf %add3A_133, %scan3A_129#4 : vector<16xf32>
    %add3A_135 = arith.addf %add3A_134, %scan3A_129#5 : vector<16xf32>
    %add3A_136 = arith.addf %add3A_135, %scan3A_129#6 : vector<16xf32>
    %add3A_137 = arith.addf %add3A_136, %scan3A_129#7 : vector<16xf32>
    %swap3A = arith.constant 4 : i32
    %swap3A_138 = arith.index_cast %swap3A : i32 to index
    %swap3A_139 = arith.constant 0 : index
    %swap3A_140 = tpu.vector_load %arg6[%swap3A_138, %swap3A_139] {strides = array<i32>} : memref<6x16xf32, #tpu.memory_space<vmem>>, vector<1x16xf32>,
    %swap3A_141 = vector.shape_cast %swap3A_140 : vector<1x16xf32> to vector<16xf32>
    %swap3A_142 = vector.shape_cast %add3A_137 : vector<16xf32> to vector<1x16xf32>
    tpu.vector_store %arg6[%swap3A_138, %swap3A_139], %swap3A_142 {strides = array<i32>} : memref<6x16xf32, #tpu.memory_space<vmem>>, vector<1x16xf32>,
    %dma_wait3A_143 = arith.constant 0 : i32
    %dma_wait3A_144 = arith.constant 0 : i32
    %dma_wait3A_145 = arith.constant 0 : i32
    %dma_wait3A_146 = arith.constant 0 : i32
    %dma_wait3A_147 = tpu.memref_slice %arg2[%dma_wait3A_143, %dma_wait3A_144, %dma_wait3A_145, %dma_wait3A_146] : memref<4x192x384x384xf32, #tpu.memory_space<hbm>> -> memref<1x1x128x384xf32, #tpu.memory_space<hbm>>
    %dma_wait3A_148 = tpu.memref_squeeze %dma_wait3A_147 : memref<1x1x128x384xf32, #tpu.memory_space<hbm>> -> memref<128x384xf32, #tpu.memory_space<hbm>>
    %dma_wait3A_149 = arith.constant 0 : i32
    %dma_wait3A_150 = arith.constant 0 : i32
    %dma_wait3A_151 = tpu.memref_slice %arg2[%dma_wait3A_143, %dma_wait3A_144, %dma_wait3A_149, %dma_wait3A_150] : memref<4x192x384x384xf32, #tpu.memory_space<hbm>> -> memref<1x1x128x384xf32, #tpu.memory_space<hbm>>
    %dma_wait3A_152 = tpu.memref_squeeze %dma_wait3A_151 : memref<1x1x128x384xf32, #tpu.memory_space<hbm>> -> memref<128x384xf32, #tpu.memory_space<hbm>>
    tpu.wait_dma2 semaphore(%arg9 : memref<!tpu.dma_semaphore, #tpu.memory_space<semaphore_mem>>) src(%dma_wait3A_152 : memref<128x384xf32, #tpu.memory_space<hbm>>) dst(%arg5 : memref<128x384xf32, #tpu.memory_space<vmem>>)
    %broadcast_in_dim3A_153 = arith.constant 0.000000e+00 : f32
    %broadcast_in_dim3A_154 = vector.broadcast %broadcast_in_dim3A_153 : f32 to vector<16xf32>
    %broadcast_in_dim3A_155 = arith.constant 0.000000e+00 : f32
    %broadcast_in_dim3A_156 = vector.broadcast %broadcast_in_dim3A_155 : f32 to vector<16xf32>
    %broadcast_in_dim3A_157 = arith.constant 0.000000e+00 : f32
    %broadcast_in_dim3A_158 = vector.broadcast %broadcast_in_dim3A_157 : f32 to vector<16xf32>
    %broadcast_in_dim3A_159 = arith.constant 0.000000e+00 : f32
    %broadcast_in_dim3A_160 = vector.broadcast %broadcast_in_dim3A_159 : f32 to vector<16xf32>
    %broadcast_in_dim3A_161 = arith.constant 0.000000e+00 : f32
    %broadcast_in_dim3A_162 = vector.broadcast %broadcast_in_dim3A_161 : f32 to vector<16xf32>
    %broadcast_in_dim3A_163 = arith.constant 0.000000e+00 : f32
    %broadcast_in_dim3A_164 = vector.broadcast %broadcast_in_dim3A_163 : f32 to vector<16xf32>
    %broadcast_in_dim3A_165 = arith.constant 0.000000e+00 : f32
    %broadcast_in_dim3A_166 = vector.broadcast %broadcast_in_dim3A_165 : f32 to vector<16xf32>
    %broadcast_in_dim3A_167 = arith.constant 0.000000e+00 : f32
    %broadcast_in_dim3A_168 = vector.broadcast %broadcast_in_dim3A_167 : f32 to vector<16xf32>
    %scan3A_169 = arith.constant 0 : i32
    %scan3A_170 = arith.constant 128 : i32
    %scan3A_171 = arith.addi %scan3A_169, %scan3A_170 : i32
    %scan3A_172 = arith.constant 1 : i32
    %scan3A_173:8 = scf.for %scan3A_233 = %scan3A_169 to %scan3A_171 step %scan3A_172 iter_args(%scan3A_234 = %broadcast_in_dim3A_154, %scan3A_235 = %broadcast_in_dim3A_156, %scan3A_236 = %broadcast_in_dim3A_158, %scan3A_237 = %broadcast_in_dim3A_160, %scan3A_238 = %broadcast_in_dim3A_162, %scan3A_239 = %broadcast_in_dim3A_164, %scan3A_240 = %broadcast_in_dim3A_166, %scan3A_241 = %broadcast_in_dim3A_168) -> (vector<16xf32>, vector<16xf32>, vector<16xf32>, vector<16xf32>, vector<16xf32>, vector<16xf32>, vector<16xf32>, vector<16xf32>)  : i32 {
      %get3A_242 = arith.index_cast %scan3A_233 : i32 to index
      %get3A_243 = arith.constant 0 : index
      %get3A_244 = tpu.vector_load %arg5[%get3A_242, %get3A_243] {strides = array<i32>} : memref<128x384xf32, #tpu.memory_space<vmem>>, vector<1x16xf32>,
      %get3A_245 = vector.shape_cast %get3A_244 : vector<1x16xf32> to vector<16xf32>
      %add3A_246 = arith.addf %scan3A_234, %get3A_245 : vector<16xf32>
      %get3A_247 = arith.index_cast %scan3A_233 : i32 to index
      %get3A_248 = arith.constant 16 : index
      %get3A_249 = tpu.vector_load %arg5[%get3A_247, %get3A_248] {strides = array<i32>} : memref<128x384xf32, #tpu.memory_space<vmem>>, vector<1x16xf32>,
      %get3A_250 = vector.shape_cast %get3A_249 : vector<1x16xf32> to vector<16xf32>
      %add3A_251 = arith.addf %add3A_246, %get3A_250 : vector<16xf32>
      %get3A_252 = arith.index_cast %scan3A_233 : i32 to index
      %get3A_253 = arith.constant 32 : index
      %get3A_254 = tpu.vector_load %arg5[%get3A_252, %get3A_253] {strides = array<i32>} : memref<128x384xf32, #tpu.memory_space<vmem>>, vector<1x16xf32>,
      %get3A_255 = vector.shape_cast %get3A_254 : vector<1x16xf32> to vector<16xf32>
      %add3A_256 = arith.addf %add3A_251, %get3A_255 : vector<16xf32>
      %get3A_257 = arith.index_cast %scan3A_233 : i32 to index
      %get3A_258 = arith.constant 48 : index
      %get3A_259 = tpu.vector_load %arg5[%get3A_257, %get3A_258] {strides = array<i32>} : memref<128x384xf32, #tpu.memory_space<vmem>>, vector<1x16xf32>,
      %get3A_260 = vector.shape_cast %get3A_259 : vector<1x16xf32> to vector<16xf32>
      %add3A_261 = arith.addf %scan3A_235, %get3A_260 : vector<16xf32>
      %get3A_262 = arith.index_cast %scan3A_233 : i32 to index
      %get3A_263 = arith.constant 64 : index
      %get3A_264 = tpu.vector_load %arg5[%get3A_262, %get3A_263] {strides = array<i32>} : memref<128x384xf32, #tpu.memory_space<vmem>>, vector<1x16xf32>,
      %get3A_265 = vector.shape_cast %get3A_264 : vector<1x16xf32> to vector<16xf32>
      %add3A_266 = arith.addf %add3A_261, %get3A_265 : vector<16xf32>
      %get3A_267 = arith.index_cast %scan3A_233 : i32 to index
      %get3A_268 = arith.constant 80 : index
      %get3A_269 = tpu.vector_load %arg5[%get3A_267, %get3A_268] {strides = array<i32>} : memref<128x384xf32, #tpu.memory_space<vmem>>, vector<1x16xf32>,
      %get3A_270 = vector.shape_cast %get3A_269 : vector<1x16xf32> to vector<16xf32>
      %add3A_271 = arith.addf %add3A_266, %get3A_270 : vector<16xf32>
      %get3A_272 = arith.index_cast %scan3A_233 : i32 to index
      %get3A_273 = arith.constant 96 : index
      %get3A_274 = tpu.vector_load %arg5[%get3A_272, %get3A_273] {strides = array<i32>} : memref<128x384xf32, #tpu.memory_space<vmem>>, vector<1x16xf32>,
      %get3A_275 = vector.shape_cast %get3A_274 : vector<1x16xf32> to vector<16xf32>
      %add3A_276 = arith.addf %scan3A_236, %get3A_275 : vector<16xf32>
      %get3A_277 = arith.index_cast %scan3A_233 : i32 to index
      %get3A_278 = arith.constant 112 : index
      %get3A_279 = tpu.vector_load %arg5[%get3A_277, %get3A_278] {strides = array<i32>} : memref<128x384xf32, #tpu.memory_space<vmem>>, vector<1x16xf32>,
      %get3A_280 = vector.shape_cast %get3A_279 : vector<1x16xf32> to vector<16xf32>
      %add3A_281 = arith.addf %add3A_276, %get3A_280 : vector<16xf32>
      %get3A_282 = arith.index_cast %scan3A_233 : i32 to index
      %get3A_283 = arith.constant 128 : index
      %get3A_284 = tpu.vector_load %arg5[%get3A_282, %get3A_283] {strides = array<i32>} : memref<128x384xf32, #tpu.memory_space<vmem>>, vector<1x16xf32>,
      %get3A_285 = vector.shape_cast %get3A_284 : vector<1x16xf32> to vector<16xf32>
      %add3A_286 = arith.addf %add3A_281, %get3A_285 : vector<16xf32>
      %get3A_287 = arith.index_cast %scan3A_233 : i32 to index
      %get3A_288 = arith.constant 144 : index
      %get3A_289 = tpu.vector_load %arg5[%get3A_287, %get3A_288] {strides = array<i32>} : memref<128x384xf32, #tpu.memory_space<vmem>>, vector<1x16xf32>,
      %get3A_290 = vector.shape_cast %get3A_289 : vector<1x16xf32> to vector<16xf32>
      %add3A_291 = arith.addf %scan3A_237, %get3A_290 : vector<16xf32>
      %get3A_292 = arith.index_cast %scan3A_233 : i32 to index
      %get3A_293 = arith.constant 160 : index
      %get3A_294 = tpu.vector_load %arg5[%get3A_292, %get3A_293] {strides = array<i32>} : memref<128x384xf32, #tpu.memory_space<vmem>>, vector<1x16xf32>,
      %get3A_295 = vector.shape_cast %get3A_294 : vector<1x16xf32> to vector<16xf32>
      %add3A_296 = arith.addf %add3A_291, %get3A_295 : vector<16xf32>
      %get3A_297 = arith.index_cast %scan3A_233 : i32 to index
      %get3A_298 = arith.constant 176 : index
      %get3A_299 = tpu.vector_load %arg5[%get3A_297, %get3A_298] {strides = array<i32>} : memref<128x384xf32, #tpu.memory_space<vmem>>, vector<1x16xf32>,
      %get3A_300 = vector.shape_cast %get3A_299 : vector<1x16xf32> to vector<16xf32>
      %add3A_301 = arith.addf %add3A_296, %get3A_300 : vector<16xf32>
      %get3A_302 = arith.index_cast %scan3A_233 : i32 to index
      %get3A_303 = arith.constant 192 : index
      %get3A_304 = tpu.vector_load %arg5[%get3A_302, %get3A_303] {strides = array<i32>} : memref<128x384xf32, #tpu.memory_space<vmem>>, vector<1x16xf32>,
      %get3A_305 = vector.shape_cast %get3A_304 : vector<1x16xf32> to vector<16xf32>
      %add3A_306 = arith.addf %scan3A_238, %get3A_305 : vector<16xf32>
      %get3A_307 = arith.index_cast %scan3A_233 : i32 to index
      %get3A_308 = arith.constant 208 : index
      %get3A_309 = tpu.vector_load %arg5[%get3A_307, %get3A_308] {strides = array<i32>} : memref<128x384xf32, #tpu.memory_space<vmem>>, vector<1x16xf32>,
      %get3A_310 = vector.shape_cast %get3A_309 : vector<1x16xf32> to vector<16xf32>
      %add3A_311 = arith.addf %add3A_306, %get3A_310 : vector<16xf32>
      %get3A_312 = arith.index_cast %scan3A_233 : i32 to index
      %get3A_313 = arith.constant 224 : index
      %get3A_314 = tpu.vector_load %arg5[%get3A_312, %get3A_313] {strides = array<i32>} : memref<128x384xf32, #tpu.memory_space<vmem>>, vector<1x16xf32>,
      %get3A_315 = vector.shape_cast %get3A_314 : vector<1x16xf32> to vector<16xf32>
      %add3A_316 = arith.addf %add3A_311, %get3A_315 : vector<16xf32>
      %get3A_317 = arith.index_cast %scan3A_233 : i32 to index
      %get3A_318 = arith.constant 240 : index
      %get3A_319 = tpu.vector_load %arg5[%get3A_317, %get3A_318] {strides = array<i32>} : memref<128x384xf32, #tpu.memory_space<vmem>>, vector<1x16xf32>,
      %get3A_320 = vector.shape_cast %get3A_319 : vector<1x16xf32> to vector<16xf32>
      %add3A_321 = arith.addf %scan3A_239, %get3A_320 : vector<16xf32>
      %get3A_322 = arith.index_cast %scan3A_233 : i32 to index
      %get3A_323 = arith.constant 256 : index
      %get3A_324 = tpu.vector_load %arg5[%get3A_322, %get3A_323] {strides = array<i32>} : memref<128x384xf32, #tpu.memory_space<vmem>>, vector<1x16xf32>,
      %get3A_325 = vector.shape_cast %get3A_324 : vector<1x16xf32> to vector<16xf32>
      %add3A_326 = arith.addf %add3A_321, %get3A_325 : vector<16xf32>
      %get3A_327 = arith.index_cast %scan3A_233 : i32 to index
      %get3A_328 = arith.constant 272 : index
      %get3A_329 = tpu.vector_load %arg5[%get3A_327, %get3A_328] {strides = array<i32>} : memref<128x384xf32, #tpu.memory_space<vmem>>, vector<1x16xf32>,
      %get3A_330 = vector.shape_cast %get3A_329 : vector<1x16xf32> to vector<16xf32>
      %add3A_331 = arith.addf %add3A_326, %get3A_330 : vector<16xf32>
      %get3A_332 = arith.index_cast %scan3A_233 : i32 to index
      %get3A_333 = arith.constant 288 : index
      %get3A_334 = tpu.vector_load %arg5[%get3A_332, %get3A_333] {strides = array<i32>} : memref<128x384xf32, #tpu.memory_space<vmem>>, vector<1x16xf32>,
      %get3A_335 = vector.shape_cast %get3A_334 : vector<1x16xf32> to vector<16xf32>
      %add3A_336 = arith.addf %scan3A_240, %get3A_335 : vector<16xf32>
      %get3A_337 = arith.index_cast %scan3A_233 : i32 to index
      %get3A_338 = arith.constant 304 : index
      %get3A_339 = tpu.vector_load %arg5[%get3A_337, %get3A_338] {strides = array<i32>} : memref<128x384xf32, #tpu.memory_space<vmem>>, vector<1x16xf32>,
      %get3A_340 = vector.shape_cast %get3A_339 : vector<1x16xf32> to vector<16xf32>
      %add3A_341 = arith.addf %add3A_336, %get3A_340 : vector<16xf32>
      %get3A_342 = arith.index_cast %scan3A_233 : i32 to index
      %get3A_343 = arith.constant 320 : index
      %get3A_344 = tpu.vector_load %arg5[%get3A_342, %get3A_343] {strides = array<i32>} : memref<128x384xf32, #tpu.memory_space<vmem>>, vector<1x16xf32>,
      %get3A_345 = vector.shape_cast %get3A_344 : vector<1x16xf32> to vector<16xf32>
      %add3A_346 = arith.addf %add3A_341, %get3A_345 : vector<16xf32>
      %get3A_347 = arith.index_cast %scan3A_233 : i32 to index
      %get3A_348 = arith.constant 336 : index
      %get3A_349 = tpu.vector_load %arg5[%get3A_347, %get3A_348] {strides = array<i32>} : memref<128x384xf32, #tpu.memory_space<vmem>>, vector<1x16xf32>,
      %get3A_350 = vector.shape_cast %get3A_349 : vector<1x16xf32> to vector<16xf32>
      %add3A_351 = arith.addf %scan3A_241, %get3A_350 : vector<16xf32>
      %get3A_352 = arith.index_cast %scan3A_233 : i32 to index
      %get3A_353 = arith.constant 352 : index
      %get3A_354 = tpu.vector_load %arg5[%get3A_352, %get3A_353] {strides = array<i32>} : memref<128x384xf32, #tpu.memory_space<vmem>>, vector<1x16xf32>,
      %get3A_355 = vector.shape_cast %get3A_354 : vector<1x16xf32> to vector<16xf32>
      %add3A_356 = arith.addf %add3A_351, %get3A_355 : vector<16xf32>
      %get3A_357 = arith.index_cast %scan3A_233 : i32 to index
      %get3A_358 = arith.constant 368 : index
      %get3A_359 = tpu.vector_load %arg5[%get3A_357, %get3A_358] {strides = array<i32>} : memref<128x384xf32, #tpu.memory_space<vmem>>, vector<1x16xf32>,
      %get3A_360 = vector.shape_cast %get3A_359 : vector<1x16xf32> to vector<16xf32>
      %add3A_361 = arith.addf %add3A_356, %get3A_360 : vector<16xf32>
      scf.yield %add3A_256, %add3A_271, %add3A_286, %add3A_301, %add3A_316, %add3A_331, %add3A_346, %add3A_361 : vector<16xf32>, vector<16xf32>, vector<16xf32>, vector<16xf32>, vector<16xf32>, vector<16xf32>, vector<16xf32>, vector<16xf32>
    }
    %scan3A_174 = arith.constant 128 : i32
    %add3A_175 = arith.addf %scan3A_173#0, %scan3A_173#1 : vector<16xf32>
    %add3A_176 = arith.addf %add3A_175, %scan3A_173#2 : vector<16xf32>
    %add3A_177 = arith.addf %add3A_176, %scan3A_173#3 : vector<16xf32>
    %add3A_178 = arith.addf %add3A_177, %scan3A_173#4 : vector<16xf32>
    %add3A_179 = arith.addf %add3A_178, %scan3A_173#5 : vector<16xf32>
    %add3A_180 = arith.addf %add3A_179, %scan3A_173#6 : vector<16xf32>
    %add3A_181 = arith.addf %add3A_180, %scan3A_173#7 : vector<16xf32>
    %swap3A_182 = arith.constant 5 : i32
    %swap3A_183 = arith.index_cast %swap3A_182 : i32 to index
    %swap3A_184 = arith.constant 0 : index
    %swap3A_185 = tpu.vector_load %arg6[%swap3A_183, %swap3A_184] {strides = array<i32>} : memref<6x16xf32, #tpu.memory_space<vmem>>, vector<1x16xf32>,
    %swap3A_186 = vector.shape_cast %swap3A_185 : vector<1x16xf32> to vector<16xf32>
    %swap3A_187 = vector.shape_cast %add3A_181 : vector<16xf32> to vector<1x16xf32>
    tpu.vector_store %arg6[%swap3A_183, %swap3A_184], %swap3A_187 {strides = array<i32>} : memref<6x16xf32, #tpu.memory_space<vmem>>, vector<1x16xf32>,
    %get3A = arith.constant 0 : i32
    %get3A_188 = arith.index_cast %get3A : i32 to index
    %get3A_189 = arith.constant 0 : index
    %get3A_190 = tpu.vector_load %arg6[%get3A_188, %get3A_189] {strides = array<i32>} : memref<6x16xf32, #tpu.memory_space<vmem>>, vector<1x16xf32>,
    %get3A_191 = vector.shape_cast %get3A_190 : vector<1x16xf32> to vector<16xf32>
    %get3A_192 = arith.constant 1 : i32
    %get3A_193 = arith.index_cast %get3A_192 : i32 to index
    %get3A_194 = arith.constant 0 : index
    %get3A_195 = tpu.vector_load %arg6[%get3A_193, %get3A_194] {strides = array<i32>} : memref<6x16xf32, #tpu.memory_space<vmem>>, vector<1x16xf32>,
    %get3A_196 = vector.shape_cast %get3A_195 : vector<1x16xf32> to vector<16xf32>
    %add3A_197 = arith.addf %get3A_191, %get3A_196 : vector<16xf32>
    %get3A_198 = arith.constant 2 : i32
    %get3A_199 = arith.index_cast %get3A_198 : i32 to index
    %get3A_200 = arith.constant 0 : index
    %get3A_201 = tpu.vector_load %arg6[%get3A_199, %get3A_200] {strides = array<i32>} : memref<6x16xf32, #tpu.memory_space<vmem>>, vector<1x16xf32>,
    %get3A_202 = vector.shape_cast %get3A_201 : vector<1x16xf32> to vector<16xf32>
    %add3A_203 = arith.addf %add3A_197, %get3A_202 : vector<16xf32>
    %swap3A_204 = arith.constant 0 : i32
    %swap3A_205 = arith.index_cast %swap3A_204 : i32 to index
    %swap3A_206 = arith.constant 0 : index
    %swap3A_207 = tpu.vector_load %arg7[%swap3A_205, %swap3A_206] {strides = array<i32>} : memref<2x16xf32, #tpu.memory_space<vmem>>, vector<1x16xf32>,
    %swap3A_208 = vector.shape_cast %swap3A_207 : vector<1x16xf32> to vector<16xf32>
    %swap3A_209 = vector.shape_cast %add3A_203 : vector<16xf32> to vector<1x16xf32>
    tpu.vector_store %arg7[%swap3A_205, %swap3A_206], %swap3A_209 {strides = array<i32>} : memref<2x16xf32, #tpu.memory_space<vmem>>, vector<1x16xf32>,
    %get3A_210 = arith.constant 3 : i32
    %get3A_211 = arith.index_cast %get3A_210 : i32 to index
    %get3A_212 = arith.constant 0 : index
    %get3A_213 = tpu.vector_load %arg6[%get3A_211, %get3A_212] {strides = array<i32>} : memref<6x16xf32, #tpu.memory_space<vmem>>, vector<1x16xf32>,
    %get3A_214 = vector.shape_cast %get3A_213 : vector<1x16xf32> to vector<16xf32>
    %get3A_215 = arith.constant 4 : i32
    %get3A_216 = arith.index_cast %get3A_215 : i32 to index
    %get3A_217 = arith.constant 0 : index
    %get3A_218 = tpu.vector_load %arg6[%get3A_216, %get3A_217] {strides = array<i32>} : memref<6x16xf32, #tpu.memory_space<vmem>>, vector<1x16xf32>,
    %get3A_219 = vector.shape_cast %get3A_218 : vector<1x16xf32> to vector<16xf32>
    %add3A_220 = arith.addf %get3A_214, %get3A_219 : vector<16xf32>
    %get3A_221 = arith.constant 5 : i32
    %get3A_222 = arith.index_cast %get3A_221 : i32 to index
    %get3A_223 = arith.constant 0 : index
    %get3A_224 = tpu.vector_load %arg6[%get3A_222, %get3A_223] {strides = array<i32>} : memref<6x16xf32, #tpu.memory_space<vmem>>, vector<1x16xf32>,
    %get3A_225 = vector.shape_cast %get3A_224 : vector<1x16xf32> to vector<16xf32>
    %add3A_226 = arith.addf %add3A_220, %get3A_225 : vector<16xf32>
    %swap3A_227 = arith.constant 1 : i32
    %swap3A_228 = arith.index_cast %swap3A_227 : i32 to index
    %swap3A_229 = arith.constant 0 : index
    %swap3A_230 = tpu.vector_load %arg7[%swap3A_228, %swap3A_229] {strides = array<i32>} : memref<2x16xf32, #tpu.memory_space<vmem>>, vector<1x16xf32>,
    %swap3A_231 = vector.shape_cast %swap3A_230 : vector<1x16xf32> to vector<16xf32>
    %swap3A_232 = vector.shape_cast %add3A_226 : vector<16xf32> to vector<1x16xf32>
    tpu.vector_store %arg7[%swap3A_228, %swap3A_229], %swap3A_232 {strides = array<i32>} : memref<2x16xf32, #tpu.memory_space<vmem>>, vector<1x16xf32>,
    "tpu.region"() ({
      %run_scoped3A = tpu.sem_alloc : memref<!tpu.dma_semaphore, #tpu.memory_space<semaphore_mem>>
      %dma_start3A_233 = arith.constant 0 : i32
      %dma_start3A_234 = arith.constant 0 : i32
      %dma_start3A_235 = tpu.memref_slice %arg3[%add3A, %dma_start3A_233, %dma_start3A_234] : memref<32x2x16xf32, #tpu.memory_space<hbm>> -> memref<1x2x16xf32, #tpu.memory_space<hbm>>
      %dma_start3A_236 = tpu.memref_squeeze %dma_start3A_235 : memref<1x2x16xf32, #tpu.memory_space<hbm>> -> memref<2x16xf32, #tpu.memory_space<hbm>>
      %dma_start3A_237 = arith.constant 0 : i32
      %dma_start3A_238 = arith.constant 0 : i32
      %dma_start3A_239 = tpu.memref_slice %arg3[%add3A, %dma_start3A_237, %dma_start3A_238] : memref<32x2x16xf32, #tpu.memory_space<hbm>> -> memref<1x2x16xf32, #tpu.memory_space<hbm>>
      %dma_start3A_240 = tpu.memref_squeeze %dma_start3A_239 : memref<1x2x16xf32, #tpu.memory_space<hbm>> -> memref<2x16xf32, #tpu.memory_space<hbm>>
      tpu.enqueue_dma source(%arg7 : memref<2x16xf32, #tpu.memory_space<vmem>>) target(%dma_start3A_240 : memref<2x16xf32, #tpu.memory_space<hbm>>) target_semaphore(%run_scoped3A : memref<!tpu.dma_semaphore, #tpu.memory_space<semaphore_mem>>)
      %dma_wait3A_241 = arith.constant 0 : i32
      %dma_wait3A_242 = arith.constant 0 : i32
      %dma_wait3A_243 = tpu.memref_slice %arg3[%add3A, %dma_wait3A_241, %dma_wait3A_242] : memref<32x2x16xf32, #tpu.memory_space<hbm>> -> memref<1x2x16xf32, #tpu.memory_space<hbm>>
      %dma_wait3A_244 = tpu.memref_squeeze %dma_wait3A_243 : memref<1x2x16xf32, #tpu.memory_space<hbm>> -> memref<2x16xf32, #tpu.memory_space<hbm>>
      %dma_wait3A_245 = arith.constant 0 : i32
      %dma_wait3A_246 = arith.constant 0 : i32
      %dma_wait3A_247 = tpu.memref_slice %arg3[%add3A, %dma_wait3A_245, %dma_wait3A_246] : memref<32x2x16xf32, #tpu.memory_space<hbm>> -> memref<1x2x16xf32, #tpu.memory_space<hbm>>
      %dma_wait3A_248 = tpu.memref_squeeze %dma_wait3A_247 : memref<1x2x16xf32, #tpu.memory_space<hbm>> -> memref<2x16xf32, #tpu.memory_space<hbm>>
      tpu.wait_dma2 semaphore(%run_scoped3A : memref<!tpu.dma_semaphore, #tpu.memory_space<semaphore_mem>>) src(%arg7 : memref<2x16xf32, #tpu.memory_space<vmem>>) dst(%dma_wait3A_248 : memref<2x16xf32, #tpu.memory_space<hbm>>)
      tpu.yield
    }) : () -> ()
    return
  }
}

module attributes {stable_mosaic.version = 14 : i64} {
  func.func @_mlp_body(%arg0: memref<4x176x128xf32, #tpu.memory_space<vmem>>, %arg1: memref<4x16x16xf32, #tpu.memory_space<vmem>>, %arg2: memref<48x192xf32, #tpu.memory_space<vmem>>, %arg3: memref<1x48xf32, #tpu.memory_space<vmem>>, %arg4: memref<16x48xf32, #tpu.memory_space<vmem>>, %arg5: memref<1x16xf32, #tpu.memory_space<vmem>>, %arg6: memref<4x16xf32, #tpu.memory_space<vmem>>) attributes {dimension_semantics = [], scalar_prefetch = 0 : i64, scratch_operands = 0 : i64, tpu.core_type = #tpu.core_type<tc>} {
    %get3A = arith.constant 0 : index
    %get3A_0 = arith.constant 0 : index
    %get3A_1 = arith.constant 0 : index
    %get3A_2 = vector.load %arg0[%get3A, %get3A_0, %get3A_1] : memref<4x176x128xf32, #tpu.memory_space<vmem>>, vector<4x176x128xf32>
    %reduce_sum3A = arith.constant dense<0.000000e+00> : vector<4x176xf32>
    %reduce_sum3A_3 = vector.multi_reduction <add>, %get3A_2, %reduce_sum3A [2] : vector<4x176x128xf32> to vector<4x176xf32>
    %get3A_4 = arith.constant 0 : index
    %get3A_5 = arith.constant 0 : index
    %get3A_6 = arith.constant 0 : index
    %get3A_7 = vector.load %arg1[%get3A_4, %get3A_5, %get3A_6] : memref<4x16x16xf32, #tpu.memory_space<vmem>>, vector<4x16x16xf32>
    %reduce_sum3A_8 = arith.constant dense<0.000000e+00> : vector<4x16xf32>
    %reduce_sum3A_9 = vector.multi_reduction <add>, %get3A_7, %reduce_sum3A_8 [2] : vector<4x16x16xf32> to vector<4x16xf32>
    %concatenate3A = tpu.concatenate %reduce_sum3A_3, %reduce_sum3A_9 in 1 : vector<4x176xf32>, vector<4x16xf32> -> vector<4x192xf32>
    %mul3A = arith.constant 6.78168407E-6 : f32
    %mul3A_10 = vector.broadcast %mul3A : f32 to vector<4x192xf32>
    %mul3A_11 = arith.mulf %concatenate3A, %mul3A_10 : vector<4x192xf32>
    %get3A_12 = arith.constant 0 : index
    %get3A_13 = arith.constant 0 : index
    %get3A_14 = vector.load %arg2[%get3A_12, %get3A_13] : memref<48x192xf32, #tpu.memory_space<vmem>>, vector<48x192xf32>
    %dot_general3A = arith.constant dense<0.000000e+00> : vector<4x48xf32>
    %dot_general3A_15 = tpu.matmul %mul3A_11, %get3A_14, %dot_general3A {dimension_numbers = #tpu.dot_dimension_numbers<[1], [1], [0], [0], [0, 0, 1, 0], [], []>, transpose_lhs_hint = false} : vector<4x192xf32>, vector<48x192xf32>, vector<4x48xf32> -> vector<4x48xf32>
    %get3A_16 = arith.constant 0 : index
    %get3A_17 = arith.constant 0 : index
    %get3A_18 = vector.load %arg3[%get3A_16, %get3A_17] : memref<1x48xf32, #tpu.memory_space<vmem>>, vector<1x48xf32>
    %add3A = vector.broadcast %get3A_18 : vector<1x48xf32> to vector<4x48xf32>
    %add3A_19 = arith.addf %dot_general3A_15, %add3A : vector<4x48xf32>
    %max3A = arith.constant 0.000000e+00 : f32
    %max3A_20 = vector.broadcast %max3A : f32 to vector<4x48xf32>
    %max3A_21 = arith.maximumf %add3A_19, %max3A_20 : vector<4x48xf32>
    %get3A_22 = arith.constant 0 : index
    %get3A_23 = arith.constant 0 : index
    %get3A_24 = vector.load %arg4[%get3A_22, %get3A_23] : memref<16x48xf32, #tpu.memory_space<vmem>>, vector<16x48xf32>
    %dot_general3A_25 = arith.constant dense<0.000000e+00> : vector<4x16xf32>
    %dot_general3A_26 = tpu.matmul %max3A_21, %get3A_24, %dot_general3A_25 {dimension_numbers = #tpu.dot_dimension_numbers<[1], [1], [0], [0], [0, 0, 1, 0], [], []>, transpose_lhs_hint = false} : vector<4x48xf32>, vector<16x48xf32>, vector<4x16xf32> -> vector<4x16xf32>
    %get3A_27 = arith.constant 0 : index
    %get3A_28 = arith.constant 0 : index
    %get3A_29 = vector.load %arg5[%get3A_27, %get3A_28] : memref<1x16xf32, #tpu.memory_space<vmem>>, vector<1x16xf32>
    %add3A_30 = vector.broadcast %get3A_29 : vector<1x16xf32> to vector<4x16xf32>
    %add3A_31 = arith.addf %dot_general3A_26, %add3A_30 : vector<4x16xf32>
    %reduce_max3A = arith.constant dense<0xFF800000> : vector<4xf32>
    %reduce_max3A_32 = vector.multi_reduction <maximumf>, %add3A_31, %reduce_max3A [1] : vector<4x16xf32> to vector<4xf32>
    %broadcast_in_dim3A = vector.shape_cast %reduce_max3A_32 : vector<4xf32> to vector<4x1xf32>
    %sub3A = vector.broadcast %broadcast_in_dim3A : vector<4x1xf32> to vector<4x16xf32>
    %sub3A_33 = arith.subf %add3A_31, %sub3A : vector<4x16xf32>
    %exp3A = math.exp %sub3A_33 : vector<4x16xf32>
    %reduce_sum3A_34 = arith.constant dense<0.000000e+00> : vector<4xf32>
    %reduce_sum3A_35 = vector.multi_reduction <add>, %exp3A, %reduce_sum3A_34 [1] : vector<4x16xf32> to vector<4xf32>
    %broadcast_in_dim3A_36 = vector.shape_cast %reduce_sum3A_35 : vector<4xf32> to vector<4x1xf32>
    %div3A = vector.broadcast %broadcast_in_dim3A_36 : vector<4x1xf32> to vector<4x16xf32>
    %div3A_37 = arith.divf %exp3A, %div3A : vector<4x16xf32>
    %swap3A = arith.constant 0 : index
    %swap3A_38 = arith.constant 0 : index
    %swap3A_39 = vector.load %arg6[%swap3A, %swap3A_38] : memref<4x16xf32, #tpu.memory_space<vmem>>, vector<4x16xf32>
    tpu.vector_store %arg6[%swap3A, %swap3A_38], %div3A_37 {strides = array<i32>} : memref<4x16xf32, #tpu.memory_space<vmem>>, vector<4x16xf32>,
    return
  }
}

module attributes {stable_mosaic.version = 14 : i64} {
  func.func @_tc_pool_body(%arg0: i32, %arg1: i32, %arg2: memref<1x8x384x384xf32, #tpu.memory_space<vmem>>, %arg3: memref<1x8x128xf32, #tpu.memory_space<vmem>>) attributes {dimension_semantics = [#tpu.dimension_semantics<arbitrary>, #tpu.dimension_semantics<arbitrary>], iteration_bounds = array<i64: 4, 22>, scalar_prefetch = 0 : i64, scratch_operands = 0 : i64, tpu.core_type = #tpu.core_type<tc>, window_params = [{transform_indices = @transform_0, window_bounds = array<i64: 1, 8, 384, 384>}, {transform_indices = @transform_1, window_bounds = array<i64: 1, 8, 128>}]} {
    %get3A = arith.constant 0 : index
    %get3A_0 = arith.constant 0 : index
    %get3A_1 = arith.constant 0 : index
    %get3A_2 = arith.constant 0 : index
    %get3A_3 = vector.load %arg2[%get3A, %get3A_0, %get3A_1, %get3A_2] : memref<1x8x384x384xf32, #tpu.memory_space<vmem>>, vector<1x8x384x384xf32>
    %slice3A = vector.extract_strided_slice %get3A_3 {offsets = [0, 0, 0, 0], sizes = [1, 8, 8, 128], strides = [1, 1, 1, 1]} : vector<1x8x384x384xf32> to vector<1x8x8x128xf32>
    %squeeze3A = vector.shape_cast %slice3A : vector<1x8x8x128xf32> to vector<8x8x128xf32>
    %slice3A_4 = vector.extract_strided_slice %get3A_3 {offsets = [0, 0, 0, 128], sizes = [1, 8, 8, 128], strides = [1, 1, 1, 1]} : vector<1x8x384x384xf32> to vector<1x8x8x128xf32>
    %squeeze3A_5 = vector.shape_cast %slice3A_4 : vector<1x8x8x128xf32> to vector<8x8x128xf32>
    %add3A = arith.addf %squeeze3A, %squeeze3A_5 : vector<8x8x128xf32>
    %slice3A_6 = vector.extract_strided_slice %get3A_3 {offsets = [0, 0, 0, 256], sizes = [1, 8, 8, 128], strides = [1, 1, 1, 1]} : vector<1x8x384x384xf32> to vector<1x8x8x128xf32>
    %squeeze3A_7 = vector.shape_cast %slice3A_6 : vector<1x8x8x128xf32> to vector<8x8x128xf32>
    %add3A_8 = arith.addf %add3A, %squeeze3A_7 : vector<8x8x128xf32>
    %slice3A_9 = vector.extract_strided_slice %get3A_3 {offsets = [0, 0, 8, 0], sizes = [1, 8, 8, 128], strides = [1, 1, 1, 1]} : vector<1x8x384x384xf32> to vector<1x8x8x128xf32>
    %squeeze3A_10 = vector.shape_cast %slice3A_9 : vector<1x8x8x128xf32> to vector<8x8x128xf32>
    %add3A_11 = arith.addf %add3A_8, %squeeze3A_10 : vector<8x8x128xf32>
    %slice3A_12 = vector.extract_strided_slice %get3A_3 {offsets = [0, 0, 8, 128], sizes = [1, 8, 8, 128], strides = [1, 1, 1, 1]} : vector<1x8x384x384xf32> to vector<1x8x8x128xf32>
    %squeeze3A_13 = vector.shape_cast %slice3A_12 : vector<1x8x8x128xf32> to vector<8x8x128xf32>
    %add3A_14 = arith.addf %add3A_11, %squeeze3A_13 : vector<8x8x128xf32>
    %slice3A_15 = vector.extract_strided_slice %get3A_3 {offsets = [0, 0, 8, 256], sizes = [1, 8, 8, 128], strides = [1, 1, 1, 1]} : vector<1x8x384x384xf32> to vector<1x8x8x128xf32>
    %squeeze3A_16 = vector.shape_cast %slice3A_15 : vector<1x8x8x128xf32> to vector<8x8x128xf32>
    %add3A_17 = arith.addf %add3A_14, %squeeze3A_16 : vector<8x8x128xf32>
    %slice3A_18 = vector.extract_strided_slice %get3A_3 {offsets = [0, 0, 16, 0], sizes = [1, 8, 8, 128], strides = [1, 1, 1, 1]} : vector<1x8x384x384xf32> to vector<1x8x8x128xf32>
    %squeeze3A_19 = vector.shape_cast %slice3A_18 : vector<1x8x8x128xf32> to vector<8x8x128xf32>
    %add3A_20 = arith.addf %add3A_17, %squeeze3A_19 : vector<8x8x128xf32>
    %slice3A_21 = vector.extract_strided_slice %get3A_3 {offsets = [0, 0, 16, 128], sizes = [1, 8, 8, 128], strides = [1, 1, 1, 1]} : vector<1x8x384x384xf32> to vector<1x8x8x128xf32>
    %squeeze3A_22 = vector.shape_cast %slice3A_21 : vector<1x8x8x128xf32> to vector<8x8x128xf32>
    %add3A_23 = arith.addf %add3A_20, %squeeze3A_22 : vector<8x8x128xf32>
    %slice3A_24 = vector.extract_strided_slice %get3A_3 {offsets = [0, 0, 16, 256], sizes = [1, 8, 8, 128], strides = [1, 1, 1, 1]} : vector<1x8x384x384xf32> to vector<1x8x8x128xf32>
    %squeeze3A_25 = vector.shape_cast %slice3A_24 : vector<1x8x8x128xf32> to vector<8x8x128xf32>
    %add3A_26 = arith.addf %add3A_23, %squeeze3A_25 : vector<8x8x128xf32>
    %slice3A_27 = vector.extract_strided_slice %get3A_3 {offsets = [0, 0, 24, 0], sizes = [1, 8, 8, 128], strides = [1, 1, 1, 1]} : vector<1x8x384x384xf32> to vector<1x8x8x128xf32>
    %squeeze3A_28 = vector.shape_cast %slice3A_27 : vector<1x8x8x128xf32> to vector<8x8x128xf32>
    %add3A_29 = arith.addf %add3A_26, %squeeze3A_28 : vector<8x8x128xf32>
    %slice3A_30 = vector.extract_strided_slice %get3A_3 {offsets = [0, 0, 24, 128], sizes = [1, 8, 8, 128], strides = [1, 1, 1, 1]} : vector<1x8x384x384xf32> to vector<1x8x8x128xf32>
    %squeeze3A_31 = vector.shape_cast %slice3A_30 : vector<1x8x8x128xf32> to vector<8x8x128xf32>
    %add3A_32 = arith.addf %add3A_29, %squeeze3A_31 : vector<8x8x128xf32>
    %slice3A_33 = vector.extract_strided_slice %get3A_3 {offsets = [0, 0, 24, 256], sizes = [1, 8, 8, 128], strides = [1, 1, 1, 1]} : vector<1x8x384x384xf32> to vector<1x8x8x128xf32>
    %squeeze3A_34 = vector.shape_cast %slice3A_33 : vector<1x8x8x128xf32> to vector<8x8x128xf32>
    %add3A_35 = arith.addf %add3A_32, %squeeze3A_34 : vector<8x8x128xf32>
    %slice3A_36 = vector.extract_strided_slice %get3A_3 {offsets = [0, 0, 32, 0], sizes = [1, 8, 8, 128], strides = [1, 1, 1, 1]} : vector<1x8x384x384xf32> to vector<1x8x8x128xf32>
    %squeeze3A_37 = vector.shape_cast %slice3A_36 : vector<1x8x8x128xf32> to vector<8x8x128xf32>
    %add3A_38 = arith.addf %add3A_35, %squeeze3A_37 : vector<8x8x128xf32>
    %slice3A_39 = vector.extract_strided_slice %get3A_3 {offsets = [0, 0, 32, 128], sizes = [1, 8, 8, 128], strides = [1, 1, 1, 1]} : vector<1x8x384x384xf32> to vector<1x8x8x128xf32>
    %squeeze3A_40 = vector.shape_cast %slice3A_39 : vector<1x8x8x128xf32> to vector<8x8x128xf32>
    %add3A_41 = arith.addf %add3A_38, %squeeze3A_40 : vector<8x8x128xf32>
    %slice3A_42 = vector.extract_strided_slice %get3A_3 {offsets = [0, 0, 32, 256], sizes = [1, 8, 8, 128], strides = [1, 1, 1, 1]} : vector<1x8x384x384xf32> to vector<1x8x8x128xf32>
    %squeeze3A_43 = vector.shape_cast %slice3A_42 : vector<1x8x8x128xf32> to vector<8x8x128xf32>
    %add3A_44 = arith.addf %add3A_41, %squeeze3A_43 : vector<8x8x128xf32>
    %slice3A_45 = vector.extract_strided_slice %get3A_3 {offsets = [0, 0, 40, 0], sizes = [1, 8, 8, 128], strides = [1, 1, 1, 1]} : vector<1x8x384x384xf32> to vector<1x8x8x128xf32>
    %squeeze3A_46 = vector.shape_cast %slice3A_45 : vector<1x8x8x128xf32> to vector<8x8x128xf32>
    %add3A_47 = arith.addf %add3A_44, %squeeze3A_46 : vector<8x8x128xf32>
    %slice3A_48 = vector.extract_strided_slice %get3A_3 {offsets = [0, 0, 40, 128], sizes = [1, 8, 8, 128], strides = [1, 1, 1, 1]} : vector<1x8x384x384xf32> to vector<1x8x8x128xf32>
    %squeeze3A_49 = vector.shape_cast %slice3A_48 : vector<1x8x8x128xf32> to vector<8x8x128xf32>
    %add3A_50 = arith.addf %add3A_47, %squeeze3A_49 : vector<8x8x128xf32>
    %slice3A_51 = vector.extract_strided_slice %get3A_3 {offsets = [0, 0, 40, 256], sizes = [1, 8, 8, 128], strides = [1, 1, 1, 1]} : vector<1x8x384x384xf32> to vector<1x8x8x128xf32>
    %squeeze3A_52 = vector.shape_cast %slice3A_51 : vector<1x8x8x128xf32> to vector<8x8x128xf32>
    %add3A_53 = arith.addf %add3A_50, %squeeze3A_52 : vector<8x8x128xf32>
    %slice3A_54 = vector.extract_strided_slice %get3A_3 {offsets = [0, 0, 48, 0], sizes = [1, 8, 8, 128], strides = [1, 1, 1, 1]} : vector<1x8x384x384xf32> to vector<1x8x8x128xf32>
    %squeeze3A_55 = vector.shape_cast %slice3A_54 : vector<1x8x8x128xf32> to vector<8x8x128xf32>
    %add3A_56 = arith.addf %add3A_53, %squeeze3A_55 : vector<8x8x128xf32>
    %slice3A_57 = vector.extract_strided_slice %get3A_3 {offsets = [0, 0, 48, 128], sizes = [1, 8, 8, 128], strides = [1, 1, 1, 1]} : vector<1x8x384x384xf32> to vector<1x8x8x128xf32>
    %squeeze3A_58 = vector.shape_cast %slice3A_57 : vector<1x8x8x128xf32> to vector<8x8x128xf32>
    %add3A_59 = arith.addf %add3A_56, %squeeze3A_58 : vector<8x8x128xf32>
    %slice3A_60 = vector.extract_strided_slice %get3A_3 {offsets = [0, 0, 48, 256], sizes = [1, 8, 8, 128], strides = [1, 1, 1, 1]} : vector<1x8x384x384xf32> to vector<1x8x8x128xf32>
    %squeeze3A_61 = vector.shape_cast %slice3A_60 : vector<1x8x8x128xf32> to vector<8x8x128xf32>
    %add3A_62 = arith.addf %add3A_59, %squeeze3A_61 : vector<8x8x128xf32>
    %slice3A_63 = vector.extract_strided_slice %get3A_3 {offsets = [0, 0, 56, 0], sizes = [1, 8, 8, 128], strides = [1, 1, 1, 1]} : vector<1x8x384x384xf32> to vector<1x8x8x128xf32>
    %squeeze3A_64 = vector.shape_cast %slice3A_63 : vector<1x8x8x128xf32> to vector<8x8x128xf32>
    %add3A_65 = arith.addf %add3A_62, %squeeze3A_64 : vector<8x8x128xf32>
    %slice3A_66 = vector.extract_strided_slice %get3A_3 {offsets = [0, 0, 56, 128], sizes = [1, 8, 8, 128], strides = [1, 1, 1, 1]} : vector<1x8x384x384xf32> to vector<1x8x8x128xf32>
    %squeeze3A_67 = vector.shape_cast %slice3A_66 : vector<1x8x8x128xf32> to vector<8x8x128xf32>
    %add3A_68 = arith.addf %add3A_65, %squeeze3A_67 : vector<8x8x128xf32>
    %slice3A_69 = vector.extract_strided_slice %get3A_3 {offsets = [0, 0, 56, 256], sizes = [1, 8, 8, 128], strides = [1, 1, 1, 1]} : vector<1x8x384x384xf32> to vector<1x8x8x128xf32>
    %squeeze3A_70 = vector.shape_cast %slice3A_69 : vector<1x8x8x128xf32> to vector<8x8x128xf32>
    %add3A_71 = arith.addf %add3A_68, %squeeze3A_70 : vector<8x8x128xf32>
    %slice3A_72 = vector.extract_strided_slice %get3A_3 {offsets = [0, 0, 64, 0], sizes = [1, 8, 8, 128], strides = [1, 1, 1, 1]} : vector<1x8x384x384xf32> to vector<1x8x8x128xf32>
    %squeeze3A_73 = vector.shape_cast %slice3A_72 : vector<1x8x8x128xf32> to vector<8x8x128xf32>
    %add3A_74 = arith.addf %add3A_71, %squeeze3A_73 : vector<8x8x128xf32>
    %slice3A_75 = vector.extract_strided_slice %get3A_3 {offsets = [0, 0, 64, 128], sizes = [1, 8, 8, 128], strides = [1, 1, 1, 1]} : vector<1x8x384x384xf32> to vector<1x8x8x128xf32>
    %squeeze3A_76 = vector.shape_cast %slice3A_75 : vector<1x8x8x128xf32> to vector<8x8x128xf32>
    %add3A_77 = arith.addf %add3A_74, %squeeze3A_76 : vector<8x8x128xf32>
    %slice3A_78 = vector.extract_strided_slice %get3A_3 {offsets = [0, 0, 64, 256], sizes = [1, 8, 8, 128], strides = [1, 1, 1, 1]} : vector<1x8x384x384xf32> to vector<1x8x8x128xf32>
    %squeeze3A_79 = vector.shape_cast %slice3A_78 : vector<1x8x8x128xf32> to vector<8x8x128xf32>
    %add3A_80 = arith.addf %add3A_77, %squeeze3A_79 : vector<8x8x128xf32>
    %slice3A_81 = vector.extract_strided_slice %get3A_3 {offsets = [0, 0, 72, 0], sizes = [1, 8, 8, 128], strides = [1, 1, 1, 1]} : vector<1x8x384x384xf32> to vector<1x8x8x128xf32>
    %squeeze3A_82 = vector.shape_cast %slice3A_81 : vector<1x8x8x128xf32> to vector<8x8x128xf32>
    %add3A_83 = arith.addf %add3A_80, %squeeze3A_82 : vector<8x8x128xf32>
    %slice3A_84 = vector.extract_strided_slice %get3A_3 {offsets = [0, 0, 72, 128], sizes = [1, 8, 8, 128], strides = [1, 1, 1, 1]} : vector<1x8x384x384xf32> to vector<1x8x8x128xf32>
    %squeeze3A_85 = vector.shape_cast %slice3A_84 : vector<1x8x8x128xf32> to vector<8x8x128xf32>
    %add3A_86 = arith.addf %add3A_83, %squeeze3A_85 : vector<8x8x128xf32>
    %slice3A_87 = vector.extract_strided_slice %get3A_3 {offsets = [0, 0, 72, 256], sizes = [1, 8, 8, 128], strides = [1, 1, 1, 1]} : vector<1x8x384x384xf32> to vector<1x8x8x128xf32>
    %squeeze3A_88 = vector.shape_cast %slice3A_87 : vector<1x8x8x128xf32> to vector<8x8x128xf32>
    %add3A_89 = arith.addf %add3A_86, %squeeze3A_88 : vector<8x8x128xf32>
    %slice3A_90 = vector.extract_strided_slice %get3A_3 {offsets = [0, 0, 80, 0], sizes = [1, 8, 8, 128], strides = [1, 1, 1, 1]} : vector<1x8x384x384xf32> to vector<1x8x8x128xf32>
    %squeeze3A_91 = vector.shape_cast %slice3A_90 : vector<1x8x8x128xf32> to vector<8x8x128xf32>
    %add3A_92 = arith.addf %add3A_89, %squeeze3A_91 : vector<8x8x128xf32>
    %slice3A_93 = vector.extract_strided_slice %get3A_3 {offsets = [0, 0, 80, 128], sizes = [1, 8, 8, 128], strides = [1, 1, 1, 1]} : vector<1x8x384x384xf32> to vector<1x8x8x128xf32>
    %squeeze3A_94 = vector.shape_cast %slice3A_93 : vector<1x8x8x128xf32> to vector<8x8x128xf32>
    %add3A_95 = arith.addf %add3A_92, %squeeze3A_94 : vector<8x8x128xf32>
    %slice3A_96 = vector.extract_strided_slice %get3A_3 {offsets = [0, 0, 80, 256], sizes = [1, 8, 8, 128], strides = [1, 1, 1, 1]} : vector<1x8x384x384xf32> to vector<1x8x8x128xf32>
    %squeeze3A_97 = vector.shape_cast %slice3A_96 : vector<1x8x8x128xf32> to vector<8x8x128xf32>
    %add3A_98 = arith.addf %add3A_95, %squeeze3A_97 : vector<8x8x128xf32>
    %slice3A_99 = vector.extract_strided_slice %get3A_3 {offsets = [0, 0, 88, 0], sizes = [1, 8, 8, 128], strides = [1, 1, 1, 1]} : vector<1x8x384x384xf32> to vector<1x8x8x128xf32>
    %squeeze3A_100 = vector.shape_cast %slice3A_99 : vector<1x8x8x128xf32> to vector<8x8x128xf32>
    %add3A_101 = arith.addf %add3A_98, %squeeze3A_100 : vector<8x8x128xf32>
    %slice3A_102 = vector.extract_strided_slice %get3A_3 {offsets = [0, 0, 88, 128], sizes = [1, 8, 8, 128], strides = [1, 1, 1, 1]} : vector<1x8x384x384xf32> to vector<1x8x8x128xf32>
    %squeeze3A_103 = vector.shape_cast %slice3A_102 : vector<1x8x8x128xf32> to vector<8x8x128xf32>
    %add3A_104 = arith.addf %add3A_101, %squeeze3A_103 : vector<8x8x128xf32>
    %slice3A_105 = vector.extract_strided_slice %get3A_3 {offsets = [0, 0, 88, 256], sizes = [1, 8, 8, 128], strides = [1, 1, 1, 1]} : vector<1x8x384x384xf32> to vector<1x8x8x128xf32>
    %squeeze3A_106 = vector.shape_cast %slice3A_105 : vector<1x8x8x128xf32> to vector<8x8x128xf32>
    %add3A_107 = arith.addf %add3A_104, %squeeze3A_106 : vector<8x8x128xf32>
    %slice3A_108 = vector.extract_strided_slice %get3A_3 {offsets = [0, 0, 96, 0], sizes = [1, 8, 8, 128], strides = [1, 1, 1, 1]} : vector<1x8x384x384xf32> to vector<1x8x8x128xf32>
    %squeeze3A_109 = vector.shape_cast %slice3A_108 : vector<1x8x8x128xf32> to vector<8x8x128xf32>
    %add3A_110 = arith.addf %add3A_107, %squeeze3A_109 : vector<8x8x128xf32>
    %slice3A_111 = vector.extract_strided_slice %get3A_3 {offsets = [0, 0, 96, 128], sizes = [1, 8, 8, 128], strides = [1, 1, 1, 1]} : vector<1x8x384x384xf32> to vector<1x8x8x128xf32>
    %squeeze3A_112 = vector.shape_cast %slice3A_111 : vector<1x8x8x128xf32> to vector<8x8x128xf32>
    %add3A_113 = arith.addf %add3A_110, %squeeze3A_112 : vector<8x8x128xf32>
    %slice3A_114 = vector.extract_strided_slice %get3A_3 {offsets = [0, 0, 96, 256], sizes = [1, 8, 8, 128], strides = [1, 1, 1, 1]} : vector<1x8x384x384xf32> to vector<1x8x8x128xf32>
    %squeeze3A_115 = vector.shape_cast %slice3A_114 : vector<1x8x8x128xf32> to vector<8x8x128xf32>
    %add3A_116 = arith.addf %add3A_113, %squeeze3A_115 : vector<8x8x128xf32>
    %slice3A_117 = vector.extract_strided_slice %get3A_3 {offsets = [0, 0, 104, 0], sizes = [1, 8, 8, 128], strides = [1, 1, 1, 1]} : vector<1x8x384x384xf32> to vector<1x8x8x128xf32>
    %squeeze3A_118 = vector.shape_cast %slice3A_117 : vector<1x8x8x128xf32> to vector<8x8x128xf32>
    %add3A_119 = arith.addf %add3A_116, %squeeze3A_118 : vector<8x8x128xf32>
    %slice3A_120 = vector.extract_strided_slice %get3A_3 {offsets = [0, 0, 104, 128], sizes = [1, 8, 8, 128], strides = [1, 1, 1, 1]} : vector<1x8x384x384xf32> to vector<1x8x8x128xf32>
    %squeeze3A_121 = vector.shape_cast %slice3A_120 : vector<1x8x8x128xf32> to vector<8x8x128xf32>
    %add3A_122 = arith.addf %add3A_119, %squeeze3A_121 : vector<8x8x128xf32>
    %slice3A_123 = vector.extract_strided_slice %get3A_3 {offsets = [0, 0, 104, 256], sizes = [1, 8, 8, 128], strides = [1, 1, 1, 1]} : vector<1x8x384x384xf32> to vector<1x8x8x128xf32>
    %squeeze3A_124 = vector.shape_cast %slice3A_123 : vector<1x8x8x128xf32> to vector<8x8x128xf32>
    %add3A_125 = arith.addf %add3A_122, %squeeze3A_124 : vector<8x8x128xf32>
    %slice3A_126 = vector.extract_strided_slice %get3A_3 {offsets = [0, 0, 112, 0], sizes = [1, 8, 8, 128], strides = [1, 1, 1, 1]} : vector<1x8x384x384xf32> to vector<1x8x8x128xf32>
    %squeeze3A_127 = vector.shape_cast %slice3A_126 : vector<1x8x8x128xf32> to vector<8x8x128xf32>
    %add3A_128 = arith.addf %add3A_125, %squeeze3A_127 : vector<8x8x128xf32>
    %slice3A_129 = vector.extract_strided_slice %get3A_3 {offsets = [0, 0, 112, 128], sizes = [1, 8, 8, 128], strides = [1, 1, 1, 1]} : vector<1x8x384x384xf32> to vector<1x8x8x128xf32>
    %squeeze3A_130 = vector.shape_cast %slice3A_129 : vector<1x8x8x128xf32> to vector<8x8x128xf32>
    %add3A_131 = arith.addf %add3A_128, %squeeze3A_130 : vector<8x8x128xf32>
    %slice3A_132 = vector.extract_strided_slice %get3A_3 {offsets = [0, 0, 112, 256], sizes = [1, 8, 8, 128], strides = [1, 1, 1, 1]} : vector<1x8x384x384xf32> to vector<1x8x8x128xf32>
    %squeeze3A_133 = vector.shape_cast %slice3A_132 : vector<1x8x8x128xf32> to vector<8x8x128xf32>
    %add3A_134 = arith.addf %add3A_131, %squeeze3A_133 : vector<8x8x128xf32>
    %slice3A_135 = vector.extract_strided_slice %get3A_3 {offsets = [0, 0, 120, 0], sizes = [1, 8, 8, 128], strides = [1, 1, 1, 1]} : vector<1x8x384x384xf32> to vector<1x8x8x128xf32>
    %squeeze3A_136 = vector.shape_cast %slice3A_135 : vector<1x8x8x128xf32> to vector<8x8x128xf32>
    %add3A_137 = arith.addf %add3A_134, %squeeze3A_136 : vector<8x8x128xf32>
    %slice3A_138 = vector.extract_strided_slice %get3A_3 {offsets = [0, 0, 120, 128], sizes = [1, 8, 8, 128], strides = [1, 1, 1, 1]} : vector<1x8x384x384xf32> to vector<1x8x8x128xf32>
    %squeeze3A_139 = vector.shape_cast %slice3A_138 : vector<1x8x8x128xf32> to vector<8x8x128xf32>
    %add3A_140 = arith.addf %add3A_137, %squeeze3A_139 : vector<8x8x128xf32>
    %slice3A_141 = vector.extract_strided_slice %get3A_3 {offsets = [0, 0, 120, 256], sizes = [1, 8, 8, 128], strides = [1, 1, 1, 1]} : vector<1x8x384x384xf32> to vector<1x8x8x128xf32>
    %squeeze3A_142 = vector.shape_cast %slice3A_141 : vector<1x8x8x128xf32> to vector<8x8x128xf32>
    %add3A_143 = arith.addf %add3A_140, %squeeze3A_142 : vector<8x8x128xf32>
    %slice3A_144 = vector.extract_strided_slice %get3A_3 {offsets = [0, 0, 128, 0], sizes = [1, 8, 8, 128], strides = [1, 1, 1, 1]} : vector<1x8x384x384xf32> to vector<1x8x8x128xf32>
    %squeeze3A_145 = vector.shape_cast %slice3A_144 : vector<1x8x8x128xf32> to vector<8x8x128xf32>
    %add3A_146 = arith.addf %add3A_143, %squeeze3A_145 : vector<8x8x128xf32>
    %slice3A_147 = vector.extract_strided_slice %get3A_3 {offsets = [0, 0, 128, 128], sizes = [1, 8, 8, 128], strides = [1, 1, 1, 1]} : vector<1x8x384x384xf32> to vector<1x8x8x128xf32>
    %squeeze3A_148 = vector.shape_cast %slice3A_147 : vector<1x8x8x128xf32> to vector<8x8x128xf32>
    %add3A_149 = arith.addf %add3A_146, %squeeze3A_148 : vector<8x8x128xf32>
    %slice3A_150 = vector.extract_strided_slice %get3A_3 {offsets = [0, 0, 128, 256], sizes = [1, 8, 8, 128], strides = [1, 1, 1, 1]} : vector<1x8x384x384xf32> to vector<1x8x8x128xf32>
    %squeeze3A_151 = vector.shape_cast %slice3A_150 : vector<1x8x8x128xf32> to vector<8x8x128xf32>
    %add3A_152 = arith.addf %add3A_149, %squeeze3A_151 : vector<8x8x128xf32>
    %slice3A_153 = vector.extract_strided_slice %get3A_3 {offsets = [0, 0, 136, 0], sizes = [1, 8, 8, 128], strides = [1, 1, 1, 1]} : vector<1x8x384x384xf32> to vector<1x8x8x128xf32>
    %squeeze3A_154 = vector.shape_cast %slice3A_153 : vector<1x8x8x128xf32> to vector<8x8x128xf32>
    %add3A_155 = arith.addf %add3A_152, %squeeze3A_154 : vector<8x8x128xf32>
    %slice3A_156 = vector.extract_strided_slice %get3A_3 {offsets = [0, 0, 136, 128], sizes = [1, 8, 8, 128], strides = [1, 1, 1, 1]} : vector<1x8x384x384xf32> to vector<1x8x8x128xf32>
    %squeeze3A_157 = vector.shape_cast %slice3A_156 : vector<1x8x8x128xf32> to vector<8x8x128xf32>
    %add3A_158 = arith.addf %add3A_155, %squeeze3A_157 : vector<8x8x128xf32>
    %slice3A_159 = vector.extract_strided_slice %get3A_3 {offsets = [0, 0, 136, 256], sizes = [1, 8, 8, 128], strides = [1, 1, 1, 1]} : vector<1x8x384x384xf32> to vector<1x8x8x128xf32>
    %squeeze3A_160 = vector.shape_cast %slice3A_159 : vector<1x8x8x128xf32> to vector<8x8x128xf32>
    %add3A_161 = arith.addf %add3A_158, %squeeze3A_160 : vector<8x8x128xf32>
    %slice3A_162 = vector.extract_strided_slice %get3A_3 {offsets = [0, 0, 144, 0], sizes = [1, 8, 8, 128], strides = [1, 1, 1, 1]} : vector<1x8x384x384xf32> to vector<1x8x8x128xf32>
    %squeeze3A_163 = vector.shape_cast %slice3A_162 : vector<1x8x8x128xf32> to vector<8x8x128xf32>
    %add3A_164 = arith.addf %add3A_161, %squeeze3A_163 : vector<8x8x128xf32>
    %slice3A_165 = vector.extract_strided_slice %get3A_3 {offsets = [0, 0, 144, 128], sizes = [1, 8, 8, 128], strides = [1, 1, 1, 1]} : vector<1x8x384x384xf32> to vector<1x8x8x128xf32>
    %squeeze3A_166 = vector.shape_cast %slice3A_165 : vector<1x8x8x128xf32> to vector<8x8x128xf32>
    %add3A_167 = arith.addf %add3A_164, %squeeze3A_166 : vector<8x8x128xf32>
    %slice3A_168 = vector.extract_strided_slice %get3A_3 {offsets = [0, 0, 144, 256], sizes = [1, 8, 8, 128], strides = [1, 1, 1, 1]} : vector<1x8x384x384xf32> to vector<1x8x8x128xf32>
    %squeeze3A_169 = vector.shape_cast %slice3A_168 : vector<1x8x8x128xf32> to vector<8x8x128xf32>
    %add3A_170 = arith.addf %add3A_167, %squeeze3A_169 : vector<8x8x128xf32>
    %slice3A_171 = vector.extract_strided_slice %get3A_3 {offsets = [0, 0, 152, 0], sizes = [1, 8, 8, 128], strides = [1, 1, 1, 1]} : vector<1x8x384x384xf32> to vector<1x8x8x128xf32>
    %squeeze3A_172 = vector.shape_cast %slice3A_171 : vector<1x8x8x128xf32> to vector<8x8x128xf32>
    %add3A_173 = arith.addf %add3A_170, %squeeze3A_172 : vector<8x8x128xf32>
    %slice3A_174 = vector.extract_strided_slice %get3A_3 {offsets = [0, 0, 152, 128], sizes = [1, 8, 8, 128], strides = [1, 1, 1, 1]} : vector<1x8x384x384xf32> to vector<1x8x8x128xf32>
    %squeeze3A_175 = vector.shape_cast %slice3A_174 : vector<1x8x8x128xf32> to vector<8x8x128xf32>
    %add3A_176 = arith.addf %add3A_173, %squeeze3A_175 : vector<8x8x128xf32>
    %slice3A_177 = vector.extract_strided_slice %get3A_3 {offsets = [0, 0, 152, 256], sizes = [1, 8, 8, 128], strides = [1, 1, 1, 1]} : vector<1x8x384x384xf32> to vector<1x8x8x128xf32>
    %squeeze3A_178 = vector.shape_cast %slice3A_177 : vector<1x8x8x128xf32> to vector<8x8x128xf32>
    %add3A_179 = arith.addf %add3A_176, %squeeze3A_178 : vector<8x8x128xf32>
    %slice3A_180 = vector.extract_strided_slice %get3A_3 {offsets = [0, 0, 160, 0], sizes = [1, 8, 8, 128], strides = [1, 1, 1, 1]} : vector<1x8x384x384xf32> to vector<1x8x8x128xf32>
    %squeeze3A_181 = vector.shape_cast %slice3A_180 : vector<1x8x8x128xf32> to vector<8x8x128xf32>
    %add3A_182 = arith.addf %add3A_179, %squeeze3A_181 : vector<8x8x128xf32>
    %slice3A_183 = vector.extract_strided_slice %get3A_3 {offsets = [0, 0, 160, 128], sizes = [1, 8, 8, 128], strides = [1, 1, 1, 1]} : vector<1x8x384x384xf32> to vector<1x8x8x128xf32>
    %squeeze3A_184 = vector.shape_cast %slice3A_183 : vector<1x8x8x128xf32> to vector<8x8x128xf32>
    %add3A_185 = arith.addf %add3A_182, %squeeze3A_184 : vector<8x8x128xf32>
    %slice3A_186 = vector.extract_strided_slice %get3A_3 {offsets = [0, 0, 160, 256], sizes = [1, 8, 8, 128], strides = [1, 1, 1, 1]} : vector<1x8x384x384xf32> to vector<1x8x8x128xf32>
    %squeeze3A_187 = vector.shape_cast %slice3A_186 : vector<1x8x8x128xf32> to vector<8x8x128xf32>
    %add3A_188 = arith.addf %add3A_185, %squeeze3A_187 : vector<8x8x128xf32>
    %slice3A_189 = vector.extract_strided_slice %get3A_3 {offsets = [0, 0, 168, 0], sizes = [1, 8, 8, 128], strides = [1, 1, 1, 1]} : vector<1x8x384x384xf32> to vector<1x8x8x128xf32>
    %squeeze3A_190 = vector.shape_cast %slice3A_189 : vector<1x8x8x128xf32> to vector<8x8x128xf32>
    %add3A_191 = arith.addf %add3A_188, %squeeze3A_190 : vector<8x8x128xf32>
    %slice3A_192 = vector.extract_strided_slice %get3A_3 {offsets = [0, 0, 168, 128], sizes = [1, 8, 8, 128], strides = [1, 1, 1, 1]} : vector<1x8x384x384xf32> to vector<1x8x8x128xf32>
    %squeeze3A_193 = vector.shape_cast %slice3A_192 : vector<1x8x8x128xf32> to vector<8x8x128xf32>
    %add3A_194 = arith.addf %add3A_191, %squeeze3A_193 : vector<8x8x128xf32>
    %slice3A_195 = vector.extract_strided_slice %get3A_3 {offsets = [0, 0, 168, 256], sizes = [1, 8, 8, 128], strides = [1, 1, 1, 1]} : vector<1x8x384x384xf32> to vector<1x8x8x128xf32>
    %squeeze3A_196 = vector.shape_cast %slice3A_195 : vector<1x8x8x128xf32> to vector<8x8x128xf32>
    %add3A_197 = arith.addf %add3A_194, %squeeze3A_196 : vector<8x8x128xf32>
    %slice3A_198 = vector.extract_strided_slice %get3A_3 {offsets = [0, 0, 176, 0], sizes = [1, 8, 8, 128], strides = [1, 1, 1, 1]} : vector<1x8x384x384xf32> to vector<1x8x8x128xf32>
    %squeeze3A_199 = vector.shape_cast %slice3A_198 : vector<1x8x8x128xf32> to vector<8x8x128xf32>
    %add3A_200 = arith.addf %add3A_197, %squeeze3A_199 : vector<8x8x128xf32>
    %slice3A_201 = vector.extract_strided_slice %get3A_3 {offsets = [0, 0, 176, 128], sizes = [1, 8, 8, 128], strides = [1, 1, 1, 1]} : vector<1x8x384x384xf32> to vector<1x8x8x128xf32>
    %squeeze3A_202 = vector.shape_cast %slice3A_201 : vector<1x8x8x128xf32> to vector<8x8x128xf32>
    %add3A_203 = arith.addf %add3A_200, %squeeze3A_202 : vector<8x8x128xf32>
    %slice3A_204 = vector.extract_strided_slice %get3A_3 {offsets = [0, 0, 176, 256], sizes = [1, 8, 8, 128], strides = [1, 1, 1, 1]} : vector<1x8x384x384xf32> to vector<1x8x8x128xf32>
    %squeeze3A_205 = vector.shape_cast %slice3A_204 : vector<1x8x8x128xf32> to vector<8x8x128xf32>
    %add3A_206 = arith.addf %add3A_203, %squeeze3A_205 : vector<8x8x128xf32>
    %slice3A_207 = vector.extract_strided_slice %get3A_3 {offsets = [0, 0, 184, 0], sizes = [1, 8, 8, 128], strides = [1, 1, 1, 1]} : vector<1x8x384x384xf32> to vector<1x8x8x128xf32>
    %squeeze3A_208 = vector.shape_cast %slice3A_207 : vector<1x8x8x128xf32> to vector<8x8x128xf32>
    %add3A_209 = arith.addf %add3A_206, %squeeze3A_208 : vector<8x8x128xf32>
    %slice3A_210 = vector.extract_strided_slice %get3A_3 {offsets = [0, 0, 184, 128], sizes = [1, 8, 8, 128], strides = [1, 1, 1, 1]} : vector<1x8x384x384xf32> to vector<1x8x8x128xf32>
    %squeeze3A_211 = vector.shape_cast %slice3A_210 : vector<1x8x8x128xf32> to vector<8x8x128xf32>
    %add3A_212 = arith.addf %add3A_209, %squeeze3A_211 : vector<8x8x128xf32>
    %slice3A_213 = vector.extract_strided_slice %get3A_3 {offsets = [0, 0, 184, 256], sizes = [1, 8, 8, 128], strides = [1, 1, 1, 1]} : vector<1x8x384x384xf32> to vector<1x8x8x128xf32>
    %squeeze3A_214 = vector.shape_cast %slice3A_213 : vector<1x8x8x128xf32> to vector<8x8x128xf32>
    %add3A_215 = arith.addf %add3A_212, %squeeze3A_214 : vector<8x8x128xf32>
    %slice3A_216 = vector.extract_strided_slice %get3A_3 {offsets = [0, 0, 192, 0], sizes = [1, 8, 8, 128], strides = [1, 1, 1, 1]} : vector<1x8x384x384xf32> to vector<1x8x8x128xf32>
    %squeeze3A_217 = vector.shape_cast %slice3A_216 : vector<1x8x8x128xf32> to vector<8x8x128xf32>
    %add3A_218 = arith.addf %add3A_215, %squeeze3A_217 : vector<8x8x128xf32>
    %slice3A_219 = vector.extract_strided_slice %get3A_3 {offsets = [0, 0, 192, 128], sizes = [1, 8, 8, 128], strides = [1, 1, 1, 1]} : vector<1x8x384x384xf32> to vector<1x8x8x128xf32>
    %squeeze3A_220 = vector.shape_cast %slice3A_219 : vector<1x8x8x128xf32> to vector<8x8x128xf32>
    %add3A_221 = arith.addf %add3A_218, %squeeze3A_220 : vector<8x8x128xf32>
    %slice3A_222 = vector.extract_strided_slice %get3A_3 {offsets = [0, 0, 192, 256], sizes = [1, 8, 8, 128], strides = [1, 1, 1, 1]} : vector<1x8x384x384xf32> to vector<1x8x8x128xf32>
    %squeeze3A_223 = vector.shape_cast %slice3A_222 : vector<1x8x8x128xf32> to vector<8x8x128xf32>
    %add3A_224 = arith.addf %add3A_221, %squeeze3A_223 : vector<8x8x128xf32>
    %slice3A_225 = vector.extract_strided_slice %get3A_3 {offsets = [0, 0, 200, 0], sizes = [1, 8, 8, 128], strides = [1, 1, 1, 1]} : vector<1x8x384x384xf32> to vector<1x8x8x128xf32>
    %squeeze3A_226 = vector.shape_cast %slice3A_225 : vector<1x8x8x128xf32> to vector<8x8x128xf32>
    %add3A_227 = arith.addf %add3A_224, %squeeze3A_226 : vector<8x8x128xf32>
    %slice3A_228 = vector.extract_strided_slice %get3A_3 {offsets = [0, 0, 200, 128], sizes = [1, 8, 8, 128], strides = [1, 1, 1, 1]} : vector<1x8x384x384xf32> to vector<1x8x8x128xf32>
    %squeeze3A_229 = vector.shape_cast %slice3A_228 : vector<1x8x8x128xf32> to vector<8x8x128xf32>
    %add3A_230 = arith.addf %add3A_227, %squeeze3A_229 : vector<8x8x128xf32>
    %slice3A_231 = vector.extract_strided_slice %get3A_3 {offsets = [0, 0, 200, 256], sizes = [1, 8, 8, 128], strides = [1, 1, 1, 1]} : vector<1x8x384x384xf32> to vector<1x8x8x128xf32>
    %squeeze3A_232 = vector.shape_cast %slice3A_231 : vector<1x8x8x128xf32> to vector<8x8x128xf32>
    %add3A_233 = arith.addf %add3A_230, %squeeze3A_232 : vector<8x8x128xf32>
    %slice3A_234 = vector.extract_strided_slice %get3A_3 {offsets = [0, 0, 208, 0], sizes = [1, 8, 8, 128], strides = [1, 1, 1, 1]} : vector<1x8x384x384xf32> to vector<1x8x8x128xf32>
    %squeeze3A_235 = vector.shape_cast %slice3A_234 : vector<1x8x8x128xf32> to vector<8x8x128xf32>
    %add3A_236 = arith.addf %add3A_233, %squeeze3A_235 : vector<8x8x128xf32>
    %slice3A_237 = vector.extract_strided_slice %get3A_3 {offsets = [0, 0, 208, 128], sizes = [1, 8, 8, 128], strides = [1, 1, 1, 1]} : vector<1x8x384x384xf32> to vector<1x8x8x128xf32>
    %squeeze3A_238 = vector.shape_cast %slice3A_237 : vector<1x8x8x128xf32> to vector<8x8x128xf32>
    %add3A_239 = arith.addf %add3A_236, %squeeze3A_238 : vector<8x8x128xf32>
    %slice3A_240 = vector.extract_strided_slice %get3A_3 {offsets = [0, 0, 208, 256], sizes = [1, 8, 8, 128], strides = [1, 1, 1, 1]} : vector<1x8x384x384xf32> to vector<1x8x8x128xf32>
    %squeeze3A_241 = vector.shape_cast %slice3A_240 : vector<1x8x8x128xf32> to vector<8x8x128xf32>
    %add3A_242 = arith.addf %add3A_239, %squeeze3A_241 : vector<8x8x128xf32>
    %slice3A_243 = vector.extract_strided_slice %get3A_3 {offsets = [0, 0, 216, 0], sizes = [1, 8, 8, 128], strides = [1, 1, 1, 1]} : vector<1x8x384x384xf32> to vector<1x8x8x128xf32>
    %squeeze3A_244 = vector.shape_cast %slice3A_243 : vector<1x8x8x128xf32> to vector<8x8x128xf32>
    %add3A_245 = arith.addf %add3A_242, %squeeze3A_244 : vector<8x8x128xf32>
    %slice3A_246 = vector.extract_strided_slice %get3A_3 {offsets = [0, 0, 216, 128], sizes = [1, 8, 8, 128], strides = [1, 1, 1, 1]} : vector<1x8x384x384xf32> to vector<1x8x8x128xf32>
    %squeeze3A_247 = vector.shape_cast %slice3A_246 : vector<1x8x8x128xf32> to vector<8x8x128xf32>
    %add3A_248 = arith.addf %add3A_245, %squeeze3A_247 : vector<8x8x128xf32>
    %slice3A_249 = vector.extract_strided_slice %get3A_3 {offsets = [0, 0, 216, 256], sizes = [1, 8, 8, 128], strides = [1, 1, 1, 1]} : vector<1x8x384x384xf32> to vector<1x8x8x128xf32>
    %squeeze3A_250 = vector.shape_cast %slice3A_249 : vector<1x8x8x128xf32> to vector<8x8x128xf32>
    %add3A_251 = arith.addf %add3A_248, %squeeze3A_250 : vector<8x8x128xf32>
    %slice3A_252 = vector.extract_strided_slice %get3A_3 {offsets = [0, 0, 224, 0], sizes = [1, 8, 8, 128], strides = [1, 1, 1, 1]} : vector<1x8x384x384xf32> to vector<1x8x8x128xf32>
    %squeeze3A_253 = vector.shape_cast %slice3A_252 : vector<1x8x8x128xf32> to vector<8x8x128xf32>
    %add3A_254 = arith.addf %add3A_251, %squeeze3A_253 : vector<8x8x128xf32>
    %slice3A_255 = vector.extract_strided_slice %get3A_3 {offsets = [0, 0, 224, 128], sizes = [1, 8, 8, 128], strides = [1, 1, 1, 1]} : vector<1x8x384x384xf32> to vector<1x8x8x128xf32>
    %squeeze3A_256 = vector.shape_cast %slice3A_255 : vector<1x8x8x128xf32> to vector<8x8x128xf32>
    %add3A_257 = arith.addf %add3A_254, %squeeze3A_256 : vector<8x8x128xf32>
    %slice3A_258 = vector.extract_strided_slice %get3A_3 {offsets = [0, 0, 224, 256], sizes = [1, 8, 8, 128], strides = [1, 1, 1, 1]} : vector<1x8x384x384xf32> to vector<1x8x8x128xf32>
    %squeeze3A_259 = vector.shape_cast %slice3A_258 : vector<1x8x8x128xf32> to vector<8x8x128xf32>
    %add3A_260 = arith.addf %add3A_257, %squeeze3A_259 : vector<8x8x128xf32>
    %slice3A_261 = vector.extract_strided_slice %get3A_3 {offsets = [0, 0, 232, 0], sizes = [1, 8, 8, 128], strides = [1, 1, 1, 1]} : vector<1x8x384x384xf32> to vector<1x8x8x128xf32>
    %squeeze3A_262 = vector.shape_cast %slice3A_261 : vector<1x8x8x128xf32> to vector<8x8x128xf32>
    %add3A_263 = arith.addf %add3A_260, %squeeze3A_262 : vector<8x8x128xf32>
    %slice3A_264 = vector.extract_strided_slice %get3A_3 {offsets = [0, 0, 232, 128], sizes = [1, 8, 8, 128], strides = [1, 1, 1, 1]} : vector<1x8x384x384xf32> to vector<1x8x8x128xf32>
    %squeeze3A_265 = vector.shape_cast %slice3A_264 : vector<1x8x8x128xf32> to vector<8x8x128xf32>
    %add3A_266 = arith.addf %add3A_263, %squeeze3A_265 : vector<8x8x128xf32>
    %slice3A_267 = vector.extract_strided_slice %get3A_3 {offsets = [0, 0, 232, 256], sizes = [1, 8, 8, 128], strides = [1, 1, 1, 1]} : vector<1x8x384x384xf32> to vector<1x8x8x128xf32>
    %squeeze3A_268 = vector.shape_cast %slice3A_267 : vector<1x8x8x128xf32> to vector<8x8x128xf32>
    %add3A_269 = arith.addf %add3A_266, %squeeze3A_268 : vector<8x8x128xf32>
    %slice3A_270 = vector.extract_strided_slice %get3A_3 {offsets = [0, 0, 240, 0], sizes = [1, 8, 8, 128], strides = [1, 1, 1, 1]} : vector<1x8x384x384xf32> to vector<1x8x8x128xf32>
    %squeeze3A_271 = vector.shape_cast %slice3A_270 : vector<1x8x8x128xf32> to vector<8x8x128xf32>
    %add3A_272 = arith.addf %add3A_269, %squeeze3A_271 : vector<8x8x128xf32>
    %slice3A_273 = vector.extract_strided_slice %get3A_3 {offsets = [0, 0, 240, 128], sizes = [1, 8, 8, 128], strides = [1, 1, 1, 1]} : vector<1x8x384x384xf32> to vector<1x8x8x128xf32>
    %squeeze3A_274 = vector.shape_cast %slice3A_273 : vector<1x8x8x128xf32> to vector<8x8x128xf32>
    %add3A_275 = arith.addf %add3A_272, %squeeze3A_274 : vector<8x8x128xf32>
    %slice3A_276 = vector.extract_strided_slice %get3A_3 {offsets = [0, 0, 240, 256], sizes = [1, 8, 8, 128], strides = [1, 1, 1, 1]} : vector<1x8x384x384xf32> to vector<1x8x8x128xf32>
    %squeeze3A_277 = vector.shape_cast %slice3A_276 : vector<1x8x8x128xf32> to vector<8x8x128xf32>
    %add3A_278 = arith.addf %add3A_275, %squeeze3A_277 : vector<8x8x128xf32>
    %slice3A_279 = vector.extract_strided_slice %get3A_3 {offsets = [0, 0, 248, 0], sizes = [1, 8, 8, 128], strides = [1, 1, 1, 1]} : vector<1x8x384x384xf32> to vector<1x8x8x128xf32>
    %squeeze3A_280 = vector.shape_cast %slice3A_279 : vector<1x8x8x128xf32> to vector<8x8x128xf32>
    %add3A_281 = arith.addf %add3A_278, %squeeze3A_280 : vector<8x8x128xf32>
    %slice3A_282 = vector.extract_strided_slice %get3A_3 {offsets = [0, 0, 248, 128], sizes = [1, 8, 8, 128], strides = [1, 1, 1, 1]} : vector<1x8x384x384xf32> to vector<1x8x8x128xf32>
    %squeeze3A_283 = vector.shape_cast %slice3A_282 : vector<1x8x8x128xf32> to vector<8x8x128xf32>
    %add3A_284 = arith.addf %add3A_281, %squeeze3A_283 : vector<8x8x128xf32>
    %slice3A_285 = vector.extract_strided_slice %get3A_3 {offsets = [0, 0, 248, 256], sizes = [1, 8, 8, 128], strides = [1, 1, 1, 1]} : vector<1x8x384x384xf32> to vector<1x8x8x128xf32>
    %squeeze3A_286 = vector.shape_cast %slice3A_285 : vector<1x8x8x128xf32> to vector<8x8x128xf32>
    %add3A_287 = arith.addf %add3A_284, %squeeze3A_286 : vector<8x8x128xf32>
    %slice3A_288 = vector.extract_strided_slice %get3A_3 {offsets = [0, 0, 256, 0], sizes = [1, 8, 8, 128], strides = [1, 1, 1, 1]} : vector<1x8x384x384xf32> to vector<1x8x8x128xf32>
    %squeeze3A_289 = vector.shape_cast %slice3A_288 : vector<1x8x8x128xf32> to vector<8x8x128xf32>
    %add3A_290 = arith.addf %add3A_287, %squeeze3A_289 : vector<8x8x128xf32>
    %slice3A_291 = vector.extract_strided_slice %get3A_3 {offsets = [0, 0, 256, 128], sizes = [1, 8, 8, 128], strides = [1, 1, 1, 1]} : vector<1x8x384x384xf32> to vector<1x8x8x128xf32>
    %squeeze3A_292 = vector.shape_cast %slice3A_291 : vector<1x8x8x128xf32> to vector<8x8x128xf32>
    %add3A_293 = arith.addf %add3A_290, %squeeze3A_292 : vector<8x8x128xf32>
    %slice3A_294 = vector.extract_strided_slice %get3A_3 {offsets = [0, 0, 256, 256], sizes = [1, 8, 8, 128], strides = [1, 1, 1, 1]} : vector<1x8x384x384xf32> to vector<1x8x8x128xf32>
    %squeeze3A_295 = vector.shape_cast %slice3A_294 : vector<1x8x8x128xf32> to vector<8x8x128xf32>
    %add3A_296 = arith.addf %add3A_293, %squeeze3A_295 : vector<8x8x128xf32>
    %slice3A_297 = vector.extract_strided_slice %get3A_3 {offsets = [0, 0, 264, 0], sizes = [1, 8, 8, 128], strides = [1, 1, 1, 1]} : vector<1x8x384x384xf32> to vector<1x8x8x128xf32>
    %squeeze3A_298 = vector.shape_cast %slice3A_297 : vector<1x8x8x128xf32> to vector<8x8x128xf32>
    %add3A_299 = arith.addf %add3A_296, %squeeze3A_298 : vector<8x8x128xf32>
    %slice3A_300 = vector.extract_strided_slice %get3A_3 {offsets = [0, 0, 264, 128], sizes = [1, 8, 8, 128], strides = [1, 1, 1, 1]} : vector<1x8x384x384xf32> to vector<1x8x8x128xf32>
    %squeeze3A_301 = vector.shape_cast %slice3A_300 : vector<1x8x8x128xf32> to vector<8x8x128xf32>
    %add3A_302 = arith.addf %add3A_299, %squeeze3A_301 : vector<8x8x128xf32>
    %slice3A_303 = vector.extract_strided_slice %get3A_3 {offsets = [0, 0, 264, 256], sizes = [1, 8, 8, 128], strides = [1, 1, 1, 1]} : vector<1x8x384x384xf32> to vector<1x8x8x128xf32>
    %squeeze3A_304 = vector.shape_cast %slice3A_303 : vector<1x8x8x128xf32> to vector<8x8x128xf32>
    %add3A_305 = arith.addf %add3A_302, %squeeze3A_304 : vector<8x8x128xf32>
    %slice3A_306 = vector.extract_strided_slice %get3A_3 {offsets = [0, 0, 272, 0], sizes = [1, 8, 8, 128], strides = [1, 1, 1, 1]} : vector<1x8x384x384xf32> to vector<1x8x8x128xf32>
    %squeeze3A_307 = vector.shape_cast %slice3A_306 : vector<1x8x8x128xf32> to vector<8x8x128xf32>
    %add3A_308 = arith.addf %add3A_305, %squeeze3A_307 : vector<8x8x128xf32>
    %slice3A_309 = vector.extract_strided_slice %get3A_3 {offsets = [0, 0, 272, 128], sizes = [1, 8, 8, 128], strides = [1, 1, 1, 1]} : vector<1x8x384x384xf32> to vector<1x8x8x128xf32>
    %squeeze3A_310 = vector.shape_cast %slice3A_309 : vector<1x8x8x128xf32> to vector<8x8x128xf32>
    %add3A_311 = arith.addf %add3A_308, %squeeze3A_310 : vector<8x8x128xf32>
    %slice3A_312 = vector.extract_strided_slice %get3A_3 {offsets = [0, 0, 272, 256], sizes = [1, 8, 8, 128], strides = [1, 1, 1, 1]} : vector<1x8x384x384xf32> to vector<1x8x8x128xf32>
    %squeeze3A_313 = vector.shape_cast %slice3A_312 : vector<1x8x8x128xf32> to vector<8x8x128xf32>
    %add3A_314 = arith.addf %add3A_311, %squeeze3A_313 : vector<8x8x128xf32>
    %slice3A_315 = vector.extract_strided_slice %get3A_3 {offsets = [0, 0, 280, 0], sizes = [1, 8, 8, 128], strides = [1, 1, 1, 1]} : vector<1x8x384x384xf32> to vector<1x8x8x128xf32>
    %squeeze3A_316 = vector.shape_cast %slice3A_315 : vector<1x8x8x128xf32> to vector<8x8x128xf32>
    %add3A_317 = arith.addf %add3A_314, %squeeze3A_316 : vector<8x8x128xf32>
    %slice3A_318 = vector.extract_strided_slice %get3A_3 {offsets = [0, 0, 280, 128], sizes = [1, 8, 8, 128], strides = [1, 1, 1, 1]} : vector<1x8x384x384xf32> to vector<1x8x8x128xf32>
    %squeeze3A_319 = vector.shape_cast %slice3A_318 : vector<1x8x8x128xf32> to vector<8x8x128xf32>
    %add3A_320 = arith.addf %add3A_317, %squeeze3A_319 : vector<8x8x128xf32>
    %slice3A_321 = vector.extract_strided_slice %get3A_3 {offsets = [0, 0, 280, 256], sizes = [1, 8, 8, 128], strides = [1, 1, 1, 1]} : vector<1x8x384x384xf32> to vector<1x8x8x128xf32>
    %squeeze3A_322 = vector.shape_cast %slice3A_321 : vector<1x8x8x128xf32> to vector<8x8x128xf32>
    %add3A_323 = arith.addf %add3A_320, %squeeze3A_322 : vector<8x8x128xf32>
    %slice3A_324 = vector.extract_strided_slice %get3A_3 {offsets = [0, 0, 288, 0], sizes = [1, 8, 8, 128], strides = [1, 1, 1, 1]} : vector<1x8x384x384xf32> to vector<1x8x8x128xf32>
    %squeeze3A_325 = vector.shape_cast %slice3A_324 : vector<1x8x8x128xf32> to vector<8x8x128xf32>
    %add3A_326 = arith.addf %add3A_323, %squeeze3A_325 : vector<8x8x128xf32>
    %slice3A_327 = vector.extract_strided_slice %get3A_3 {offsets = [0, 0, 288, 128], sizes = [1, 8, 8, 128], strides = [1, 1, 1, 1]} : vector<1x8x384x384xf32> to vector<1x8x8x128xf32>
    %squeeze3A_328 = vector.shape_cast %slice3A_327 : vector<1x8x8x128xf32> to vector<8x8x128xf32>
    %add3A_329 = arith.addf %add3A_326, %squeeze3A_328 : vector<8x8x128xf32>
    %slice3A_330 = vector.extract_strided_slice %get3A_3 {offsets = [0, 0, 288, 256], sizes = [1, 8, 8, 128], strides = [1, 1, 1, 1]} : vector<1x8x384x384xf32> to vector<1x8x8x128xf32>
    %squeeze3A_331 = vector.shape_cast %slice3A_330 : vector<1x8x8x128xf32> to vector<8x8x128xf32>
    %add3A_332 = arith.addf %add3A_329, %squeeze3A_331 : vector<8x8x128xf32>
    %slice3A_333 = vector.extract_strided_slice %get3A_3 {offsets = [0, 0, 296, 0], sizes = [1, 8, 8, 128], strides = [1, 1, 1, 1]} : vector<1x8x384x384xf32> to vector<1x8x8x128xf32>
    %squeeze3A_334 = vector.shape_cast %slice3A_333 : vector<1x8x8x128xf32> to vector<8x8x128xf32>
    %add3A_335 = arith.addf %add3A_332, %squeeze3A_334 : vector<8x8x128xf32>
    %slice3A_336 = vector.extract_strided_slice %get3A_3 {offsets = [0, 0, 296, 128], sizes = [1, 8, 8, 128], strides = [1, 1, 1, 1]} : vector<1x8x384x384xf32> to vector<1x8x8x128xf32>
    %squeeze3A_337 = vector.shape_cast %slice3A_336 : vector<1x8x8x128xf32> to vector<8x8x128xf32>
    %add3A_338 = arith.addf %add3A_335, %squeeze3A_337 : vector<8x8x128xf32>
    %slice3A_339 = vector.extract_strided_slice %get3A_3 {offsets = [0, 0, 296, 256], sizes = [1, 8, 8, 128], strides = [1, 1, 1, 1]} : vector<1x8x384x384xf32> to vector<1x8x8x128xf32>
    %squeeze3A_340 = vector.shape_cast %slice3A_339 : vector<1x8x8x128xf32> to vector<8x8x128xf32>
    %add3A_341 = arith.addf %add3A_338, %squeeze3A_340 : vector<8x8x128xf32>
    %slice3A_342 = vector.extract_strided_slice %get3A_3 {offsets = [0, 0, 304, 0], sizes = [1, 8, 8, 128], strides = [1, 1, 1, 1]} : vector<1x8x384x384xf32> to vector<1x8x8x128xf32>
    %squeeze3A_343 = vector.shape_cast %slice3A_342 : vector<1x8x8x128xf32> to vector<8x8x128xf32>
    %add3A_344 = arith.addf %add3A_341, %squeeze3A_343 : vector<8x8x128xf32>
    %slice3A_345 = vector.extract_strided_slice %get3A_3 {offsets = [0, 0, 304, 128], sizes = [1, 8, 8, 128], strides = [1, 1, 1, 1]} : vector<1x8x384x384xf32> to vector<1x8x8x128xf32>
    %squeeze3A_346 = vector.shape_cast %slice3A_345 : vector<1x8x8x128xf32> to vector<8x8x128xf32>
    %add3A_347 = arith.addf %add3A_344, %squeeze3A_346 : vector<8x8x128xf32>
    %slice3A_348 = vector.extract_strided_slice %get3A_3 {offsets = [0, 0, 304, 256], sizes = [1, 8, 8, 128], strides = [1, 1, 1, 1]} : vector<1x8x384x384xf32> to vector<1x8x8x128xf32>
    %squeeze3A_349 = vector.shape_cast %slice3A_348 : vector<1x8x8x128xf32> to vector<8x8x128xf32>
    %add3A_350 = arith.addf %add3A_347, %squeeze3A_349 : vector<8x8x128xf32>
    %slice3A_351 = vector.extract_strided_slice %get3A_3 {offsets = [0, 0, 312, 0], sizes = [1, 8, 8, 128], strides = [1, 1, 1, 1]} : vector<1x8x384x384xf32> to vector<1x8x8x128xf32>
    %squeeze3A_352 = vector.shape_cast %slice3A_351 : vector<1x8x8x128xf32> to vector<8x8x128xf32>
    %add3A_353 = arith.addf %add3A_350, %squeeze3A_352 : vector<8x8x128xf32>
    %slice3A_354 = vector.extract_strided_slice %get3A_3 {offsets = [0, 0, 312, 128], sizes = [1, 8, 8, 128], strides = [1, 1, 1, 1]} : vector<1x8x384x384xf32> to vector<1x8x8x128xf32>
    %squeeze3A_355 = vector.shape_cast %slice3A_354 : vector<1x8x8x128xf32> to vector<8x8x128xf32>
    %add3A_356 = arith.addf %add3A_353, %squeeze3A_355 : vector<8x8x128xf32>
    %slice3A_357 = vector.extract_strided_slice %get3A_3 {offsets = [0, 0, 312, 256], sizes = [1, 8, 8, 128], strides = [1, 1, 1, 1]} : vector<1x8x384x384xf32> to vector<1x8x8x128xf32>
    %squeeze3A_358 = vector.shape_cast %slice3A_357 : vector<1x8x8x128xf32> to vector<8x8x128xf32>
    %add3A_359 = arith.addf %add3A_356, %squeeze3A_358 : vector<8x8x128xf32>
    %slice3A_360 = vector.extract_strided_slice %get3A_3 {offsets = [0, 0, 320, 0], sizes = [1, 8, 8, 128], strides = [1, 1, 1, 1]} : vector<1x8x384x384xf32> to vector<1x8x8x128xf32>
    %squeeze3A_361 = vector.shape_cast %slice3A_360 : vector<1x8x8x128xf32> to vector<8x8x128xf32>
    %add3A_362 = arith.addf %add3A_359, %squeeze3A_361 : vector<8x8x128xf32>
    %slice3A_363 = vector.extract_strided_slice %get3A_3 {offsets = [0, 0, 320, 128], sizes = [1, 8, 8, 128], strides = [1, 1, 1, 1]} : vector<1x8x384x384xf32> to vector<1x8x8x128xf32>
    %squeeze3A_364 = vector.shape_cast %slice3A_363 : vector<1x8x8x128xf32> to vector<8x8x128xf32>
    %add3A_365 = arith.addf %add3A_362, %squeeze3A_364 : vector<8x8x128xf32>
    %slice3A_366 = vector.extract_strided_slice %get3A_3 {offsets = [0, 0, 320, 256], sizes = [1, 8, 8, 128], strides = [1, 1, 1, 1]} : vector<1x8x384x384xf32> to vector<1x8x8x128xf32>
    %squeeze3A_367 = vector.shape_cast %slice3A_366 : vector<1x8x8x128xf32> to vector<8x8x128xf32>
    %add3A_368 = arith.addf %add3A_365, %squeeze3A_367 : vector<8x8x128xf32>
    %slice3A_369 = vector.extract_strided_slice %get3A_3 {offsets = [0, 0, 328, 0], sizes = [1, 8, 8, 128], strides = [1, 1, 1, 1]} : vector<1x8x384x384xf32> to vector<1x8x8x128xf32>
    %squeeze3A_370 = vector.shape_cast %slice3A_369 : vector<1x8x8x128xf32> to vector<8x8x128xf32>
    %add3A_371 = arith.addf %add3A_368, %squeeze3A_370 : vector<8x8x128xf32>
    %slice3A_372 = vector.extract_strided_slice %get3A_3 {offsets = [0, 0, 328, 128], sizes = [1, 8, 8, 128], strides = [1, 1, 1, 1]} : vector<1x8x384x384xf32> to vector<1x8x8x128xf32>
    %squeeze3A_373 = vector.shape_cast %slice3A_372 : vector<1x8x8x128xf32> to vector<8x8x128xf32>
    %add3A_374 = arith.addf %add3A_371, %squeeze3A_373 : vector<8x8x128xf32>
    %slice3A_375 = vector.extract_strided_slice %get3A_3 {offsets = [0, 0, 328, 256], sizes = [1, 8, 8, 128], strides = [1, 1, 1, 1]} : vector<1x8x384x384xf32> to vector<1x8x8x128xf32>
    %squeeze3A_376 = vector.shape_cast %slice3A_375 : vector<1x8x8x128xf32> to vector<8x8x128xf32>
    %add3A_377 = arith.addf %add3A_374, %squeeze3A_376 : vector<8x8x128xf32>
    %slice3A_378 = vector.extract_strided_slice %get3A_3 {offsets = [0, 0, 336, 0], sizes = [1, 8, 8, 128], strides = [1, 1, 1, 1]} : vector<1x8x384x384xf32> to vector<1x8x8x128xf32>
    %squeeze3A_379 = vector.shape_cast %slice3A_378 : vector<1x8x8x128xf32> to vector<8x8x128xf32>
    %add3A_380 = arith.addf %add3A_377, %squeeze3A_379 : vector<8x8x128xf32>
    %slice3A_381 = vector.extract_strided_slice %get3A_3 {offsets = [0, 0, 336, 128], sizes = [1, 8, 8, 128], strides = [1, 1, 1, 1]} : vector<1x8x384x384xf32> to vector<1x8x8x128xf32>
    %squeeze3A_382 = vector.shape_cast %slice3A_381 : vector<1x8x8x128xf32> to vector<8x8x128xf32>
    %add3A_383 = arith.addf %add3A_380, %squeeze3A_382 : vector<8x8x128xf32>
    %slice3A_384 = vector.extract_strided_slice %get3A_3 {offsets = [0, 0, 336, 256], sizes = [1, 8, 8, 128], strides = [1, 1, 1, 1]} : vector<1x8x384x384xf32> to vector<1x8x8x128xf32>
    %squeeze3A_385 = vector.shape_cast %slice3A_384 : vector<1x8x8x128xf32> to vector<8x8x128xf32>
    %add3A_386 = arith.addf %add3A_383, %squeeze3A_385 : vector<8x8x128xf32>
    %slice3A_387 = vector.extract_strided_slice %get3A_3 {offsets = [0, 0, 344, 0], sizes = [1, 8, 8, 128], strides = [1, 1, 1, 1]} : vector<1x8x384x384xf32> to vector<1x8x8x128xf32>
    %squeeze3A_388 = vector.shape_cast %slice3A_387 : vector<1x8x8x128xf32> to vector<8x8x128xf32>
    %add3A_389 = arith.addf %add3A_386, %squeeze3A_388 : vector<8x8x128xf32>
    %slice3A_390 = vector.extract_strided_slice %get3A_3 {offsets = [0, 0, 344, 128], sizes = [1, 8, 8, 128], strides = [1, 1, 1, 1]} : vector<1x8x384x384xf32> to vector<1x8x8x128xf32>
    %squeeze3A_391 = vector.shape_cast %slice3A_390 : vector<1x8x8x128xf32> to vector<8x8x128xf32>
    %add3A_392 = arith.addf %add3A_389, %squeeze3A_391 : vector<8x8x128xf32>
    %slice3A_393 = vector.extract_strided_slice %get3A_3 {offsets = [0, 0, 344, 256], sizes = [1, 8, 8, 128], strides = [1, 1, 1, 1]} : vector<1x8x384x384xf32> to vector<1x8x8x128xf32>
    %squeeze3A_394 = vector.shape_cast %slice3A_393 : vector<1x8x8x128xf32> to vector<8x8x128xf32>
    %add3A_395 = arith.addf %add3A_392, %squeeze3A_394 : vector<8x8x128xf32>
    %slice3A_396 = vector.extract_strided_slice %get3A_3 {offsets = [0, 0, 352, 0], sizes = [1, 8, 8, 128], strides = [1, 1, 1, 1]} : vector<1x8x384x384xf32> to vector<1x8x8x128xf32>
    %squeeze3A_397 = vector.shape_cast %slice3A_396 : vector<1x8x8x128xf32> to vector<8x8x128xf32>
    %add3A_398 = arith.addf %add3A_395, %squeeze3A_397 : vector<8x8x128xf32>
    %slice3A_399 = vector.extract_strided_slice %get3A_3 {offsets = [0, 0, 352, 128], sizes = [1, 8, 8, 128], strides = [1, 1, 1, 1]} : vector<1x8x384x384xf32> to vector<1x8x8x128xf32>
    %squeeze3A_400 = vector.shape_cast %slice3A_399 : vector<1x8x8x128xf32> to vector<8x8x128xf32>
    %add3A_401 = arith.addf %add3A_398, %squeeze3A_400 : vector<8x8x128xf32>
    %slice3A_402 = vector.extract_strided_slice %get3A_3 {offsets = [0, 0, 352, 256], sizes = [1, 8, 8, 128], strides = [1, 1, 1, 1]} : vector<1x8x384x384xf32> to vector<1x8x8x128xf32>
    %squeeze3A_403 = vector.shape_cast %slice3A_402 : vector<1x8x8x128xf32> to vector<8x8x128xf32>
    %add3A_404 = arith.addf %add3A_401, %squeeze3A_403 : vector<8x8x128xf32>
    %slice3A_405 = vector.extract_strided_slice %get3A_3 {offsets = [0, 0, 360, 0], sizes = [1, 8, 8, 128], strides = [1, 1, 1, 1]} : vector<1x8x384x384xf32> to vector<1x8x8x128xf32>
    %squeeze3A_406 = vector.shape_cast %slice3A_405 : vector<1x8x8x128xf32> to vector<8x8x128xf32>
    %add3A_407 = arith.addf %add3A_404, %squeeze3A_406 : vector<8x8x128xf32>
    %slice3A_408 = vector.extract_strided_slice %get3A_3 {offsets = [0, 0, 360, 128], sizes = [1, 8, 8, 128], strides = [1, 1, 1, 1]} : vector<1x8x384x384xf32> to vector<1x8x8x128xf32>
    %squeeze3A_409 = vector.shape_cast %slice3A_408 : vector<1x8x8x128xf32> to vector<8x8x128xf32>
    %add3A_410 = arith.addf %add3A_407, %squeeze3A_409 : vector<8x8x128xf32>
    %slice3A_411 = vector.extract_strided_slice %get3A_3 {offsets = [0, 0, 360, 256], sizes = [1, 8, 8, 128], strides = [1, 1, 1, 1]} : vector<1x8x384x384xf32> to vector<1x8x8x128xf32>
    %squeeze3A_412 = vector.shape_cast %slice3A_411 : vector<1x8x8x128xf32> to vector<8x8x128xf32>
    %add3A_413 = arith.addf %add3A_410, %squeeze3A_412 : vector<8x8x128xf32>
    %slice3A_414 = vector.extract_strided_slice %get3A_3 {offsets = [0, 0, 368, 0], sizes = [1, 8, 8, 128], strides = [1, 1, 1, 1]} : vector<1x8x384x384xf32> to vector<1x8x8x128xf32>
    %squeeze3A_415 = vector.shape_cast %slice3A_414 : vector<1x8x8x128xf32> to vector<8x8x128xf32>
    %add3A_416 = arith.addf %add3A_413, %squeeze3A_415 : vector<8x8x128xf32>
    %slice3A_417 = vector.extract_strided_slice %get3A_3 {offsets = [0, 0, 368, 128], sizes = [1, 8, 8, 128], strides = [1, 1, 1, 1]} : vector<1x8x384x384xf32> to vector<1x8x8x128xf32>
    %squeeze3A_418 = vector.shape_cast %slice3A_417 : vector<1x8x8x128xf32> to vector<8x8x128xf32>
    %add3A_419 = arith.addf %add3A_416, %squeeze3A_418 : vector<8x8x128xf32>
    %slice3A_420 = vector.extract_strided_slice %get3A_3 {offsets = [0, 0, 368, 256], sizes = [1, 8, 8, 128], strides = [1, 1, 1, 1]} : vector<1x8x384x384xf32> to vector<1x8x8x128xf32>
    %squeeze3A_421 = vector.shape_cast %slice3A_420 : vector<1x8x8x128xf32> to vector<8x8x128xf32>
    %add3A_422 = arith.addf %add3A_419, %squeeze3A_421 : vector<8x8x128xf32>
    %slice3A_423 = vector.extract_strided_slice %get3A_3 {offsets = [0, 0, 376, 0], sizes = [1, 8, 8, 128], strides = [1, 1, 1, 1]} : vector<1x8x384x384xf32> to vector<1x8x8x128xf32>
    %squeeze3A_424 = vector.shape_cast %slice3A_423 : vector<1x8x8x128xf32> to vector<8x8x128xf32>
    %add3A_425 = arith.addf %add3A_422, %squeeze3A_424 : vector<8x8x128xf32>
    %slice3A_426 = vector.extract_strided_slice %get3A_3 {offsets = [0, 0, 376, 128], sizes = [1, 8, 8, 128], strides = [1, 1, 1, 1]} : vector<1x8x384x384xf32> to vector<1x8x8x128xf32>
    %squeeze3A_427 = vector.shape_cast %slice3A_426 : vector<1x8x8x128xf32> to vector<8x8x128xf32>
    %add3A_428 = arith.addf %add3A_425, %squeeze3A_427 : vector<8x8x128xf32>
    %slice3A_429 = vector.extract_strided_slice %get3A_3 {offsets = [0, 0, 376, 256], sizes = [1, 8, 8, 128], strides = [1, 1, 1, 1]} : vector<1x8x384x384xf32> to vector<1x8x8x128xf32>
    %squeeze3A_430 = vector.shape_cast %slice3A_429 : vector<1x8x8x128xf32> to vector<8x8x128xf32>
    %add3A_431 = arith.addf %add3A_428, %squeeze3A_430 : vector<8x8x128xf32>
    %reduce_sum3A = arith.constant dense<0.000000e+00> : vector<8x128xf32>
    %reduce_sum3A_432 = vector.multi_reduction <add>, %add3A_431, %reduce_sum3A [1] : vector<8x8x128xf32> to vector<8x128xf32>
    %broadcast_in_dim3A = vector.shape_cast %reduce_sum3A_432 : vector<8x128xf32> to vector<1x8x128xf32>
    %swap3A = arith.constant 0 : index
    %swap3A_433 = arith.constant 0 : index
    %swap3A_434 = arith.constant 0 : index
    %swap3A_435 = vector.load %arg3[%swap3A, %swap3A_433, %swap3A_434] : memref<1x8x128xf32, #tpu.memory_space<vmem>>, vector<1x8x128xf32>
    tpu.vector_store %arg3[%swap3A, %swap3A_433, %swap3A_434], %broadcast_in_dim3A {strides = array<i32>} : memref<1x8x128xf32, #tpu.memory_space<vmem>>, vector<1x8x128xf32>,
    return
  }
  func.func @transform_0(%arg0: i32, %arg1: i32) -> (i32, i32, i32, i32) {
    %c0_i32 = arith.constant 0 : i32
    %c0_i32_0 = arith.constant 0 : i32
    %c0_i32_1 = arith.constant 0 : i32
    return %arg0, %arg1, %c0_i32, %c0_i32_0 : i32, i32, i32, i32
  }
  func.func @transform_1(%arg0: i32, %arg1: i32) -> (i32, i32, i32) {
    %c0_i32 = arith.constant 0 : i32
    %c0_i32_0 = arith.constant 0 : i32
    return %arg0, %arg1, %c0_i32 : i32, i32, i32
  }
}

</mosaic_0001>

<sc_bundles>
// kernel: kernel.5.cloned.1.call-start
scs
__scs_entry_jumppad:
0x0: {  	(pc) =	sbr.rel $0x88, $3  }
0x1: {  	(tag) =	ssettag $0x0;
	lr =	simm.s32 $0x1  }
0x2: {  	[smem:$0x3F9C] =	sst lr;
	_ =	strace $0xD0000000  }
0x3: {  	_ = 	snop  }
0x4: {  	_ = 	snop  }
0x5: {  	_ = 	snop  }
0x6: {  	_ = 	snop  }
0x7: {  	_ = 	snop  }
__scs_overlays_trampoline_lowered:
0x8: {  	[smem:$0x3FAB] =	sst s0  }
0x9: {  	[smem:$0x3FAC] =	sst s1  }
0xa: {  	[smem:$0x3FAD] =	sst s2  }
0xb: {  	[smem:$0x3FAE] =	sst s3  }
0xc: {  	[smem:$0x3FAF] =	sst s4  }
0xd: {  	[smem:$0x3FB0] =	sst s5  }
0xe: {  	[smem:$0x3FB1] =	sst s6  }
0xf: {  	[smem:$0x3FB2] =	sst s7  }
0x10: {  	[smem:$0x3FB3] =	sst s8  }
0x11: {  	[smem:$0x3FB4] =	sst s9;
	s0 =	simm.s32 @!p0 $0x0  }
0x12: {  	s1 =	sld [smem:$0x3F9A];
	s0 =	simm.s32 @p0 $0x1  }
0x13: {  	[smem:$0x3FB5] =	sst s0;
	s0 =	simm.s32 @!p1 $0x0  }
0x14: {  	s2 =	sld [smem:$0x3F99];
	s0 =	simm.s32 @p1 $0x1  }
0x15: {  	[smem:$0x3FB6] =	sst s0;
	s0 =	simm.s32 @!p2 $0x0  }
0x16: {  	s3 =	sld [smem:$0x3FDB];
	s0 =	simm.s32 @p2 $0x1  }
0x17: {  	s4 =	simm.s32 $0x1BF5;
	[smem:$0x3FB8] =	sst s0  }
0x18: {  	s0 =	sld [smem:$0x3F9B];
	_ =	swait.ge [sflag:s4], $0x0  }
0x19: {  	s7 =	sld [smem:$0x3F9C]  }
0x1a: {  	s8 =	sadd.s32 $0xFFFFE003, lr  }
0x1b: {  	s9 =	sadd.s32 $0xFFFFFEF7, lr;
	s5 =	simm.s32 $0xFFFFFFFF;
	p2 =	slt.u32 s8, $0xFFFFF086  }
0x1c: {  	p1 =	slt.u32 s9, $0xF7A;
	s5 =	simm.s32 @!p2 $0x0  }
0x1d: {  	s5 =	simm.s32 @p1 $0x1;
	p0 =	seq.s32 s7, s2  }
0x1e: {  	s7 =	smul.u32 @!p0 $0xF7A, s2;
	p2 =	seq.s32 @!p0 s5, $0x0  }
0x1f: {  	s9 =	smul.u32 $0xF7A, s1;
	s8 =	simm.s32 @!p0 $0x1BF5;
	p2 =	por !p2, p0  }
0x20: {  	[sflag:s8] =	ssyncset.s32 @!p0 $0xFFFFF086;
	s6 =	sadd.s32 @!p0 s3, s7;
	s7 =	simm.s32 @!p0 $0x108  }
0x21: {  	s3 =	sadd.s32 s3, s9;
	s6 =	sadd.s32 @!p0 $0x88, s6;
	s7 =	simm.s32 @p2 $0x1082  }
0x22: {  	[simem:s7], [sflag:s8] =	dma.local @!p0 [hbm:s6], $0xF7A  }
0x23: {  	s9 =	sor.u32 $0xD0000000, s2;
	s6 =	simm.s32 $0x108;
	_ =	swait.ge @!p0 [sflag:s8], $0x0  }
0x24: {  	s3 =	sadd.s32 $0x88, s3;
	s6 =	simm.s32 @!p1 $0x1082;
	[sflag:s4] =	ssyncset.s32 $0xFFFFF086  }
0x25: {  	[simem:s6], [sflag:s4] =	dma.local [hbm:s3], $0xF7A  }
0x26: {  	[smem:$0x3F9C] =	sst s1;
	(tag) =	ssettag s2;
	_ =	strace s9  }
0x27: {  	s1 =	sld [smem:$0x3FAC]  }
0x28: {  	s2 =	sld [smem:$0x3FAD]  }
0x29: {  	s4 =	sld [smem:$0x3FAF]  }
0x2a: {  	p0 =	seq.s32 s5, $0x0;
	s5 =	sld [smem:$0x3FB0]  }
0x2b: {  	s6 =	sld [smem:$0x3FB1]  }
0x2c: {  	s7 =	sld [smem:$0x3FB2]  }
0x2d: {  	s3 =	simm.s32 $0x108;
	s8 =	sld [smem:$0x3FB3]  }
0x2e: {  	s3 =	simm.s32 @!p0 $0x1082;
	s9 =	sld [smem:$0x3FB4]  }
0x2f: {  	lr =	sadd.s32 s0, s3;
	s0 =	sld [smem:$0x3FAB]  }
0x30: {  	s3 =	sld [smem:$0x3FAE]  }
0x31: {  	[smem:$0x3FB7] =	sst s10  }
0x32: {  	s10 =	sld [smem:$0x3FB5];
	_ =	sdelay $0x3  }
0x33: {  	p0 =	seq.s32 s10, $0x1;
	s10 =	sld [smem:$0x3FB7];
	_ =	sdelay $0x3  }
0x34: {  	[smem:$0x3FB7] =	sst s10  }
0x35: {  	s10 =	sld [smem:$0x3FB6];
	_ =	sdelay $0x3  }
0x36: {  	p1 =	seq.s32 s10, $0x1;
	s10 =	sld [smem:$0x3FB7];
	_ =	sdelay $0x3  }
0x37: {  	[smem:$0x3FB7] =	sst s10  }
0x38: {  	s10 =	sld [smem:$0x3FB8]  }
0x39: {  	_ = 	snop;
	(pc) =	sbr.ind lr, $3  }
0x3a: {  	_ = 	snop  }
0x3b: {  	_ = 	snop  }
0x3c: {  	p2 =	seq.s32 s10, $0x1;
	s10 =	sld [smem:$0x3FB7]  }
0x3d: {  	_ =	shalt  }
0x3e: {  	_ =	shalt  }
0x3f: {  	_ =	shalt  }
0x40: {  	_ =	shalt  }
0x41: {  	_ =	shalt  }
0x42: {  	_ =	shalt  }
0x43: {  	_ =	shalt  }
0x44: {  	_ =	shalt  }
0x45: {  	_ =	shalt  }
0x46: {  	_ =	shalt  }
0x47: {  	_ =	shalt  }
0x48: {  	_ =	shalt  }
0x49: {  	_ =	shalt  }
0x4a: {  	_ =	shalt  }
0x4b: {  	_ =	shalt  }
0x4c: {  	_ =	shalt  }
0x4d: {  	_ =	shalt  }
0x4e: {  	_ =	shalt  }
0x4f: {  	_ =	shalt  }
0x50: {  	_ =	shalt  }
0x51: {  	_ =	shalt  }
0x52: {  	_ =	shalt  }
0x53: {  	_ =	shalt  }
0x54: {  	_ =	shalt  }
0x55: {  	_ =	shalt  }
0x56: {  	_ =	shalt  }
0x57: {  	_ =	shalt  }
0x58: {  	_ =	shalt  }
0x59: {  	_ =	shalt  }
0x5a: {  	_ =	shalt  }
0x5b: {  	_ =	shalt  }
0x5c: {  	_ =	shalt  }
0x5d: {  	_ =	shalt  }
0x5e: {  	_ =	shalt  }
0x5f: {  	_ =	shalt  }
0x60: {  	_ =	shalt  }
0x61: {  	_ =	shalt  }
0x62: {  	_ =	shalt  }
0x63: {  	_ =	shalt  }
0x64: {  	_ =	shalt  }
0x65: {  	_ =	shalt  }
0x66: {  	_ =	shalt  }
0x67: {  	_ =	shalt  }
0x68: {  	_ =	shalt  }
0x69: {  	_ =	shalt  }
0x6a: {  	_ =	shalt  }
0x6b: {  	_ =	shalt  }
0x6c: {  	_ =	shalt  }
0x6d: {  	_ =	shalt  }
0x6e: {  	_ =	shalt  }
0x6f: {  	_ =	shalt  }
0x70: {  	_ =	shalt  }
0x71: {  	_ =	shalt  }
0x72: {  	_ =	shalt  }
0x73: {  	_ =	shalt  }
0x74: {  	_ =	shalt  }
0x75: {  	_ =	shalt  }
0x76: {  	_ =	shalt  }
0x77: {  	_ =	shalt  }
0x78: {  	_ =	shalt  }
0x79: {  	_ =	shalt  }
0x7a: {  	_ =	shalt  }
0x7b: {  	_ =	shalt  }
0x7c: {  	_ =	shalt  }
0x7d: {  	_ =	shalt  }
0x7e: {  	_ =	shalt  }
0x7f: {  	_ =	shalt  }
0x80: {  	_ =	shalt  }
0x81: {  	_ =	shalt  }
0x82: {  	_ =	shalt  }
0x83: {  	_ =	shalt  }
0x84: {  	_ =	shalt  }
0x85: {  	_ =	shalt  }
0x86: {  	_ =	shalt  }
0x87: {  	_ =	shalt  }
.Lfunc_end0:
.L_simem_size_0:
called_computation_lowered:
.L_overlay_start_0:
0x88: {  	s2 =	sld [smem:$0x3FD9]  }
0x89: {  	s3 =	sld [smem:$0x3FFE];
	_ =	sdelay $0x1  }
0x8a: {  	s1 =	srdreg.scid  }
0x8b: {  	s0 =	sand.u32 $0x1, s1  }
0x8c: {  	s17 =	sshll.u32 s0, $0xA;
	s2 =	sadd.s32 s3, s2  }
0x8d: {  	s2 =	sadd.s32 s2, s17  }
0x8e: {  	[smem:$0x3FC3] =	sst s2  }
0x8f: {  	_ = 	snop  }
0x90: {  	s2 =	sld [smem:$0x3FC9];
	(tm) =	ssettm $0x1  }
0x91: {  	s18 =	sld [smem:$0x3FFB];
	_ =	sdelay $0x3  }
0x92: {  	_ =	strace s18  }
0x93: {  	s3 =	sld [smem:$0x3FFC];
	_ =	sdelay $0x3  }
0x94: {  	_ =	strace s3  }
0x95: {  	s3 =	sld [smem:$0x3FFD];
	_ =	sdelay $0x3  }
0x96: {  	_ =	strace s3  }
0x97: {  	_ =	strace $0x8FFFFFFF  }
0x98: {  	s19 =	sld [smem:$0x3FDB];
	_ =	sdelay $0x1  }
0x99: {  	s4 =	simm.s32 $_scs_section_size  }
0x9a: {  	s5 =	simm.s32 $_size__tile_overlayer_lowered;
	s6 =	simm.s32 $_tile_overlayer_lowered  }
0x9b: {  	s22 =	simm.s32 $0x1BFF;
	s21 =	sshll.u32 s6, $0x1;
	s3 =	sadd.s32 s4, s19  }
0x9c: {  	s7 =	simm.s32 $0x0;
	s20 =	sshll.u32 s5, $0x1;
	s5 =	sadd.s32 s21, s3  }
0x9d: {  	[timem:s7], [sflag:s22] =	dma.local [hbm:s5], s20  }
0x9e: {  	_ =	swait.ge [sflag:s22], s20  }
0x9f: {  	s4 =	ssub.s32 $0x0, s20;
	[sflag:s22] =	ssyncset.done $0x0  }
0xa0: {  	[sflag:s22] =	ssyncadd.s32 s4;
	_ =	sdelay $0x1  }
0xa1: {  	s23 =	simm.s32 $0x1B8B  }
0xa2: {  	_ =	swait.ge [sflag:s23], $0x1  }
0xa3: {  	[sflag:s23] =	ssyncset.done $0x0  }
0xa4: {  	s25 =	simm.s32 $0x1B8E;
	s24 =	sld [smem:$0x3FFE];
	[sflag:s23] =	ssyncadd.s32 $0xFFFFFFFF  }
0xa5: {  	s26 =	simm.s32 $execute0_lowered;
	[smem:$0x3FD2] =	sst s25  }
0xa6: {  	s5 =	sshll.u32 s26, $0x1;
	_ =	strace $0x80000046;
	[dreg:$0x1] =	wrdreg $0xFFFFFFFF  }
0xa7: {  	s28 =	simm.s32 $_size_execute0_lowered;
	s3 =	sadd.s32 s3, s5;
	[dreg:$0x0] =	wrdreg $0x0  }
0xa8: {  	s5 =	sshll.u32 s28, $0x1;
	[dreg:$0x2] =	wrdreg s3  }
0xa9: {  	[dreg:$0x3] =	wrdreg s5  }
0xaa: {  	[dreg:$0x4] =	wrdreg $0xC0  }
0xab: {  	_ =	task [dreg:s7], $0x5FFFF  }
0xac: {  	[dreg:$0x1] =	wrdreg $0xFFFFFFFF  }
0xad: {  	[dreg:$0x0] =	wrdreg $0x60  }
0xae: {  	[dreg:$0x2] =	wrdreg s2  }
0xaf: {  	[dreg:$0x3] =	wrdreg s24  }
0xb0: {  	[dreg:$0x4] =	wrdreg $0x9  }
0xb1: {  	_ =	task.clear_ibuf [dreg:s7], $0x5FFFF;
	_ =	strace $0x90000046  }
0xb2: {  	s29 =	simm.s32 $0x9;
	_ =	strace $0x80000048  }
0xb3: {  	_ =	swait.ge [sflag:s29], $0x1  }
0xb4: {  	[sflag:s29] =	ssyncadd.s32 $0xFFFFFFFF  }
0xb5: {  	_ =	strace $0x90000048  }
0xb6: {  	_ =	sfence  }
0xb7: {  	s30 =	sld [smem:$0x0];
	_ =	sdelay $0x2  }
0xb8: {  	s31 =	sshll.u32 s1, $0xD;
	s1 =	sshrl.u32 s1, $0x2  }
0xb9: {  	s3 =	sand.u32 $0x4000, s31;
	s1 =	sadd.s32 s1, s30  }
0xba: {  	s0 =	sor.u32 s3, s0;
	s1 =	sshll.u32 s1, $0x11  }
0xbb: {  	s0 =	sor.u32 s1, s0  }
0xbc: {  	s0 =	sadd.s32 $0x8F2B, s0  }
0xbd: {  	[sflag:s0] =	ssyncadd.remote.s32 $0x1  }
0xbe: {  	_ =	sfence.sel $0xFFFF  }
0xbf: {  	[dreg:$0x0] =	wrdreg $0xFFFFFFFF;
	(pc) =	sbr.abs _section_cstart, $3  }
0xc0: {  	[dreg:$0x1] =	wrdreg $0xFFFFFFFF  }
0xc1: {  	_ =	task.clear_ibuf [dreg:s7], $0x2FFFF;
	_ =	strace $0x9FFFFFFF  }
0xc2: {  	(tm) =	ssettm $0x7FFFFFFF  }
0xc3: {  	_ =	shalt  }
tec
execute0_lowered:
.L_overlay_start_1:
0x0: {  	(tag) =	ssettag $0x1  }
0x1: {  	s1 =	srdreg.scid;
	s2 =	rddreg [dreg:$0x0]  }
0x2: {  	s0 =	stileid.u32;
	s8 =	rddreg [dreg:$0x1];
	s5 =	simm.s32 $0x0  }
0x3: {  	s12 =	simm.s32 $0x1;
	s6 =	sand.u32 $0x1, s1;
	s28 =	sshll.u32 s0, $0x1  }
0x4: {  	s13 =	simm.s32 $0x2;
	s14 =	simm.s32 $0x18400;
	s7 =	sor.u32 s6, s28  }
0x5: {  	s15 =	simm.s32 $0x3;
	s3 =	sshrl.u32 s0, $0x2;
	s1 =	sshll.u32 s7, $0x1  }
0x6: {  	s16 =	simm.s32 $0x0;
	s3 =	smul.u32 $0x1B00000, s3;
	s4 =	sand.u32 $0xE, s1  }
0x7: {  	[smem:$0x7FF] =	sst s5;
	s6 =	ssub.s32 $0x2, s6;
	s9 =	smul.u32 $0x24000, s4  }
0x8: {  	s7 =	sshll.u32 s7, $0x5;
	s29 =	sshrl.u32 s6, $0x1;
	s1 =	rddreg [dreg:$0x2]  }
0x9: {  	_ =	strace $0x80000047;
	s11 =	sadd.s32 s7, s8;
	s9 =	sadd.s32 s3, s9  }
0xa: {  	s31 =	ssub.s32 s6, s29;
	s10 =	sshrl.u32 s9, $0x3;
	s8 =	sadd.s32 $0x18E4000, s9  }
0xb: {  	s9 =	sadd.s32 $0xE00, s11;
	s11 =	simm.s32 $0xC000;
	s30 =	sadd.s32 s2, s10  }
0xc: {  	s10 =	smax.u32 s31, $0x1;
	s6 =	sadd.s32 $0x318000, s30;
	s7 =	sadd.s32 $0x319800, s30  }
.LBB2_1:
0xd: {  	[tilespmem:s5], [sflag:$0x1] =	stream.linear.gather [hbm4b:s6+s5], $0xC000, $0x38;
	[tilespmem:$0x18500] =	vst v63  }
0xe: {  	p1 =	por $0x1, $0x1;
	s18 =	simm.s32 $0x2;
	s17 =	simm.s32 $0x0  }
0xf: {  	[tilespmem:s11], [sflag:$0x2] =	stream.linear.gather [hbm4b:s7+s5], $0xC000, $0x38;
	[tilespmem:$0x18500] =	vst v63  }
.LBB2_2:
0x10: {  	s19 =	simm.s32 $0x0  }
0x11: {  	s19 =	smul.u32 $0x3000, s19  }
0x12: {  	_ =	swait.ge [sflag:s12], $0xC000;
	s20 =	simm.s32 $0x0  }
0x13: {  	[sflag:s12] =	ssyncset.done $0x0;
	s21 =	sand.u32 $0x380, s20;
	s19 =	sshra.s32 s19, $0x2  }
0x14: {  	[sflag:s12] =	ssyncadd.s32 $0xFFFF4000;
	s19 =	sor.u32 s21, s19  }
0x15: {  	v4 =	vld [tilespmem:s19+$0x20]  }
0x16: {  	v5 =	vld [tilespmem:s19+$0x50]  }
0x17: {  	v2 =	vld [tilespmem:s19+$0x400]  }
0x18: {  	v3 =	vld [tilespmem:s19+$0x430]  }
0x19: {  	v1 =	vld [tilespmem:s19+$0x460]  }
0x1a: {  	v0 =	vld [tilespmem:s19+$0x810]  }
0x1b: {  	v17 =	vld [tilespmem:s19+$0x10]  }
0x1c: {  	v18 =	vld [tilespmem:s19+$0x40]  }
0x1d: {  	v16 =	vld [tilespmem:s19+$0x70]  }
0x1e: {  	v15 =	vld [tilespmem:s19+$0x420]  }
0x1f: {  	v20 =	vld [tilespmem:s19+$0x0]  }
0x20: {  	v22 =	vld [tilespmem:s19+$0x30]  }
0x21: {  	v10 =	vimm.f32 $0.0e+00;
	v12 =	vimm.f32 $0.0e+00;
	v21 =	vld [tilespmem:s19+$0x60]  }
0x22: {  	v14 =	vimm.f32 $0.0e+00;
	v11 =	vimm.f32 $0.0e+00;
	v8 =	vimm.f32 $0.0e+00;
	v19 =	vld [tilespmem:s19+$0x410]  }
0x23: {  	p0 =	por p1, p1;
	v9 =	vimm.f32 $0.0e+00;
	v7 =	vimm.f32 $0.0e+00;
	v6 =	vimm.f32 $0.0e+00;
	s21 =	simm.s32 $0x1;
	v13 =	vld [tilespmem:s19+$0x450]  }
.LBB2_3:
0x24: {  	p1 =	sne.s32 s21, $0x7F;
	v23 =	vld [tilespmem:s19+$0x800]  }
0x25: {  	v24 =	vld [tilespmem:s19+$0x440]  }
0x26: {  	v10 =	vadd.f32 v20, v10;
	v12 =	vadd.f32 v22, v12;
	v20 =	vld [tilespmem:s19+$0x470]  }
0x27: {  	v14 =	vadd.f32 v21, v14;
	v11 =	vadd.f32 v19, v11;
	v19 =	vld [tilespmem:s19+$0x820]  }
0x28: {  	s22 =	sshrl.u32 s21, $0x3;
	v10 =	vadd.f32 v17, v10;
	v12 =	vadd.f32 v18, v12;
	v17 =	vld [tilespmem:s19+$0x850]  }
0x29: {  	s22 =	smul.u32 $0x3000, s22;
	v14 =	vadd.f32 v16, v14;
	v11 =	vadd.f32 v15, v11;
	v15 =	vld [tilespmem:s19+$0x830]  }
0x2a: {  	s20 =	sadd.s32 $0x80, s20;
	v10 =	vadd.f32 v4, v10;
	v12 =	vadd.f32 v5, v12;
	v16 =	vld [tilespmem:s19+$0x860]  }
0x2b: {  	s23 =	sand.u32 $0x380, s20;
	s22 =	sshra.s32 s22, $0x2;
	v14 =	vadd.f32 v2, v14;
	v11 =	vadd.f32 v3, v11;
	v18 =	vld [tilespmem:s19+$0x840]  }
0x2c: {  	v2 =	vadd.f32 v24, v8;
	v3 =	vadd.f32 v20, v9;
	v20 =	vld [tilespmem:s19+$0x870];
	s19 =	sor.u32 s23, s22  }
0x2d: {  	v7 =	vadd.f32 v19, v7;
	v4 =	vld [tilespmem:s19+$0x20];
	v6 =	vadd.f32 v17, v6  }
0x2e: {  	v8 =	vadd.f32 v13, v2;
	v9 =	vadd.f32 v23, v3;
	v5 =	vld [tilespmem:s19+$0x50]  }
0x2f: {  	v7 =	vadd.f32 v15, v7;
	v2 =	vld [tilespmem:s19+$0x400];
	v6 =	vadd.f32 v16, v6  }
0x30: {  	v8 =	vadd.f32 v1, v8;
	v9 =	vadd.f32 v0, v9;
	v3 =	vld [tilespmem:s19+$0x430]  }
0x31: {  	v7 =	vadd.f32 v18, v7;
	v1 =	vld [tilespmem:s19+$0x460];
	v6 =	vadd.f32 v20, v6  }
0x32: {  	v0 =	vld [tilespmem:s19+$0x810]  }
0x33: {  	v17 =	vld [tilespmem:s19+$0x10]  }
0x34: {  	v18 =	vld [tilespmem:s19+$0x40]  }
0x35: {  	v16 =	vld [tilespmem:s19+$0x70]  }
0x36: {  	v15 =	vld [tilespmem:s19+$0x420]  }
.Ltmp0:
0x37: {  	v20 =	vld [tilespmem:s19+$0x0];
	(pc) =	sbr.rel @p1 .LBB2_3-.Ltmp0, $4  }
0x38: {  	v22 =	vld [tilespmem:s19+$0x30]  }
0x39: {  	v21 =	vld [tilespmem:s19+$0x60]  }
0x3a: {  	v19 =	vld [tilespmem:s19+$0x410]  }
0x3b: {  	s21 =	sadd.s32 $0x1, s21;
	v13 =	vld [tilespmem:s19+$0x450]  }
0x3c: {  	_ = 	snop  }
0x3d: {  	v10 =	vadd.f32 v20, v10;
	v20 =	vld [tilespmem:s19+$0x440];
	v12 =	vadd.f32 v22, v12  }
0x3e: {  	v14 =	vadd.f32 v21, v14  }
0x3f: {  	v21 =	vld [tilespmem:s19+$0x470];
	v10 =	vadd.f32 v17, v10;
	v12 =	vadd.f32 v18, v12  }
0x40: {  	v17 =	vld [tilespmem:s19+$0x800];
	v11 =	vadd.f32 v19, v11;
	v14 =	vadd.f32 v16, v14  }
0x41: {  	v16 =	vld [tilespmem:s19+$0x820];
	v4 =	vadd.f32 v4, v10;
	v5 =	vadd.f32 v5, v12  }
0x42: {  	v10 =	vld [tilespmem:s19+$0x850];
	v11 =	vadd.f32 v15, v11;
	v8 =	vadd.f32 v20, v8  }
0x43: {  	v12 =	vld [tilespmem:s19+$0x830];
	v2 =	vadd.f32 v2, v14;
	v4 =	vadd.f32 v5, v4  }
0x44: {  	v3 =	vadd.f32 v3, v11;
	v5 =	vadd.f32 v21, v9  }
0x45: {  	v9 =	vld [tilespmem:s19+$0x860];
	v8 =	vadd.f32 v13, v8;
	v2 =	vadd.f32 v2, v4  }
0x46: {  	v4 =	vld [tilespmem:s19+$0x840];
	v7 =	vadd.f32 v16, v7;
	v5 =	vadd.f32 v17, v5  }
0x47: {  	v1 =	vadd.f32 v1, v8;
	v2 =	vadd.f32 v3, v2  }
0x48: {  	v6 =	vadd.f32 v10, v6;
	v3 =	vld [tilespmem:s19+$0x870];
	v7 =	vadd.f32 v12, v7  }
0x49: {  	s26 =	sshll.u32 s17, $0x1;
	s20 =	sor.u32 s4, s17;
	v0 =	vadd.f32 v0, v5;
	v1 =	vadd.f32 v1, v2  }
0x4a: {  	s20 =	smul.u32 $0x24000, s20;
	s18 =	sadd.s32 s18, s26;
	v2 =	vadd.f32 v9, v6  }
0x4b: {  	s18 =	smul.u32 $0xC000, s18;
	v4 =	vadd.f32 v4, v7;
	v0 =	vadd.f32 v0, v1;
	_ =	sdelay $0x1  }
0x4c: {  	s18 =	sadd.s32 s18, s20;
	v1 =	vadd.f32 v3, v2;
	v0 =	vadd.f32 v4, v0  }
0x4d: {  	s18 =	sadd.s32 s3, s18  }
0x4e: {  	s28 =	sshll.u32 s17, $0x8;
	s29 =	sadd.s32 $0x18C0000, s18;
	v0 =	vadd.f32 v1, v0  }
0x4f: {  	s18 =	sand.u32 $0x3FFFFF00, s28;
	s30 =	sshrl.u32 s29, $0x3  }
0x50: {  	s31 =	simm.s32 $0x0;
	s20 =	simm.s32 $0x0;
	s19 =	sadd.s32 s2, s30;
	[tilespmem:s18+$0x18000] =	vst v0  }
0x51: {  	[tilespmem:s20], [sflag:$0x1] =	stream.linear.gather [hbm4b:s19+s20], $0xC000, $0x38;
	[tilespmem:$0x18500] =	vst v63  }
0x52: {  	s19 =	smul.u32 $0x3000, s31  }
0x53: {  	_ =	swait.ge [sflag:s13], $0xC000  }
0x54: {  	s21 =	sand.u32 $0x380, s20;
	[sflag:s13] =	ssyncset.done $0x0;
	s19 =	sshra.s32 s19, $0x2  }
0x55: {  	[sflag:s13] =	ssyncadd.s32 $0xFFFF4000;
	s19 =	sor.u32 s21, s19  }
0x56: {  	v4 =	vld [tilespmem:s19+$0xC020]  }
0x57: {  	v5 =	vld [tilespmem:s19+$0xC050]  }
0x58: {  	v2 =	vld [tilespmem:s19+$0xC400]  }
0x59: {  	v3 =	vld [tilespmem:s19+$0xC430]  }
0x5a: {  	v1 =	vld [tilespmem:s19+$0xC460]  }
0x5b: {  	v0 =	vld [tilespmem:s19+$0xC810]  }
0x5c: {  	v17 =	vld [tilespmem:s19+$0xC010]  }
0x5d: {  	v18 =	vld [tilespmem:s19+$0xC040]  }
0x5e: {  	v16 =	vld [tilespmem:s19+$0xC070]  }
0x5f: {  	v15 =	vld [tilespmem:s19+$0xC420]  }
0x60: {  	v20 =	vld [tilespmem:s19+$0xC000]  }
0x61: {  	v22 =	vld [tilespmem:s19+$0xC030]  }
0x62: {  	v14 =	vimm.f32 $0.0e+00;
	v13 =	vimm.f32 $0.0e+00;
	v21 =	vld [tilespmem:s19+$0xC060]  }
0x63: {  	v11 =	vimm.f32 $0.0e+00;
	v10 =	vimm.f32 $0.0e+00;
	v8 =	vimm.f32 $0.0e+00;
	v19 =	vld [tilespmem:s19+$0xC410]  }
0x64: {  	v9 =	vimm.f32 $0.0e+00;
	v6 =	vimm.f32 $0.0e+00;
	v7 =	vimm.f32 $0.0e+00;
	s21 =	simm.s32 $0x1;
	v12 =	vld [tilespmem:s19+$0xC450]  }
.LBB2_5:
0x65: {  	p1 =	sne.s32 s21, $0x7F;
	v23 =	vld [tilespmem:s19+$0xC800]  }
0x66: {  	v24 =	vld [tilespmem:s19+$0xC440]  }
0x67: {  	v10 =	vadd.f32 v20, v10;
	v13 =	vadd.f32 v22, v13;
	v20 =	vld [tilespmem:s19+$0xC470]  }
0x68: {  	v14 =	vadd.f32 v21, v14;
	v11 =	vadd.f32 v19, v11;
	v19 =	vld [tilespmem:s19+$0xC820]  }
0x69: {  	s22 =	sshrl.u32 s21, $0x3;
	v10 =	vadd.f32 v17, v10;
	v13 =	vadd.f32 v18, v13;
	v17 =	vld [tilespmem:s19+$0xC850]  }
0x6a: {  	s22 =	smul.u32 $0x3000, s22;
	v14 =	vadd.f32 v16, v14;
	v11 =	vadd.f32 v15, v11;
	v15 =	vld [tilespmem:s19+$0xC830]  }
0x6b: {  	s20 =	sadd.s32 $0x80, s20;
	v10 =	vadd.f32 v4, v10;
	v13 =	vadd.f32 v5, v13;
	v16 =	vld [tilespmem:s19+$0xC860]  }
0x6c: {  	s23 =	sand.u32 $0x380, s20;
	s22 =	sshra.s32 s22, $0x2;
	v14 =	vadd.f32 v2, v14;
	v11 =	vadd.f32 v3, v11;
	v18 =	vld [tilespmem:s19+$0xC840]  }
0x6d: {  	v2 =	vadd.f32 v24, v8;
	v3 =	vadd.f32 v20, v9;
	v20 =	vld [tilespmem:s19+$0xC870];
	s19 =	sor.u32 s23, s22  }
0x6e: {  	v7 =	vadd.f32 v19, v7;
	v4 =	vld [tilespmem:s19+$0xC020];
	v6 =	vadd.f32 v17, v6  }
0x6f: {  	v8 =	vadd.f32 v12, v2;
	v9 =	vadd.f32 v23, v3;
	v5 =	vld [tilespmem:s19+$0xC050]  }
0x70: {  	v7 =	vadd.f32 v15, v7;
	v2 =	vld [tilespmem:s19+$0xC400];
	v6 =	vadd.f32 v16, v6  }
0x71: {  	v8 =	vadd.f32 v1, v8;
	v9 =	vadd.f32 v0, v9;
	v3 =	vld [tilespmem:s19+$0xC430]  }
0x72: {  	v7 =	vadd.f32 v18, v7;
	v1 =	vld [tilespmem:s19+$0xC460];
	v6 =	vadd.f32 v20, v6  }
0x73: {  	v0 =	vld [tilespmem:s19+$0xC810]  }
0x74: {  	v17 =	vld [tilespmem:s19+$0xC010]  }
0x75: {  	v18 =	vld [tilespmem:s19+$0xC040]  }
0x76: {  	v16 =	vld [tilespmem:s19+$0xC070]  }
0x77: {  	v15 =	vld [tilespmem:s19+$0xC420]  }
.Ltmp1:
0x78: {  	v20 =	vld [tilespmem:s19+$0xC000];
	(pc) =	sbr.rel @p1 .LBB2_5-.Ltmp1, $4  }
0x79: {  	v22 =	vld [tilespmem:s19+$0xC030]  }
0x7a: {  	v21 =	vld [tilespmem:s19+$0xC060]  }
0x7b: {  	v19 =	vld [tilespmem:s19+$0xC410]  }
0x7c: {  	s21 =	sadd.s32 $0x1, s21;
	v12 =	vld [tilespmem:s19+$0xC450]  }
0x7d: {  	_ = 	snop  }
0x7e: {  	v10 =	vadd.f32 v20, v10;
	v52 =	vld [tilespmem:s19+$0xC440];
	v13 =	vadd.f32 v22, v13  }
0x7f: {  	v14 =	vadd.f32 v21, v14  }
0x80: {  	v53 =	vld [tilespmem:s19+$0xC470];
	v10 =	vadd.f32 v17, v10;
	v13 =	vadd.f32 v18, v13  }
0x81: {  	v54 =	vld [tilespmem:s19+$0xC800];
	v11 =	vadd.f32 v19, v11;
	v14 =	vadd.f32 v16, v14  }
0x82: {  	v55 =	vld [tilespmem:s19+$0xC820];
	v4 =	vadd.f32 v4, v10;
	v5 =	vadd.f32 v5, v13  }
0x83: {  	v56 =	vld [tilespmem:s19+$0xC850];
	v11 =	vadd.f32 v15, v11;
	v8 =	vadd.f32 v52, v8  }
0x84: {  	v57 =	vld [tilespmem:s19+$0xC830];
	v2 =	vadd.f32 v2, v14;
	v4 =	vadd.f32 v5, v4  }
0x85: {  	v58 =	vadd.f32 v53, v9;
	v3 =	vadd.f32 v3, v11  }
0x86: {  	v59 =	vld [tilespmem:s19+$0xC860];
	v8 =	vadd.f32 v12, v8;
	v2 =	vadd.f32 v2, v4  }
0x87: {  	v60 =	vld [tilespmem:s19+$0xC840];
	v7 =	vadd.f32 v55, v7;
	v5 =	vadd.f32 v54, v58  }
0x88: {  	v1 =	vadd.f32 v1, v8;
	v2 =	vadd.f32 v3, v2  }
0x89: {  	v61 =	vld [tilespmem:s19+$0xC870];
	v6 =	vadd.f32 v56, v6;
	v7 =	vadd.f32 v57, v7  }
0x8a: {  	v0 =	vadd.f32 v0, v5;
	v1 =	vadd.f32 v1, v2  }
0x8b: {  	v62 =	vadd.f32 v59, v6  }
0x8c: {  	v4 =	vadd.f32 v60, v7;
	v0 =	vadd.f32 v0, v1;
	_ =	sdelay $0x1  }
0x8d: {  	s17 =	smul.u32 $0x18000, s17;
	v63 =	vadd.f32 v61, v62;
	v0 =	vadd.f32 v4, v0;
	_ =	sdelay $0x1  }
.Ltmp2:
0x8e: {  	s17 =	sadd.s32 s17, s8;
	v0 =	vadd.f32 v63, v0;
	(pc) =	sbr.rel @p0 .LBB2_2-.Ltmp2, $4  }
0x8f: {  	s17 =	sshrl.u32 s17, $0x3  }
0x90: {  	s17 =	sadd.s32 s2, s17;
	[tilespmem:s18+$0x18080] =	vst v0  }
0x91: {  	[tilespmem:s11], [sflag:$0x2] =	stream.linear.gather [hbm4b:s17+s5], $0xC000, $0x38;
	[tilespmem:$0x18500] =	vst v63  }
0x92: {  	p1 =	por $0x0, $0x0;
	s18 =	simm.s32 $0xFFFFFFFF;
	s17 =	simm.s32 $0x1  }
0x93: {  	s17 =	simm.s32 $0x0  }
0x94: {  	s17 =	smul.u32 $0x3000, s17  }
0x95: {  	_ =	swait.ge [sflag:s12], $0xC000;
	s18 =	simm.s32 $0x0  }
0x96: {  	[sflag:s12] =	ssyncset.done $0x0;
	s19 =	sand.u32 $0x380, s18;
	s17 =	sshra.s32 s17, $0x2  }
0x97: {  	[sflag:s12] =	ssyncadd.s32 $0xFFFF4000;
	s17 =	sor.u32 s19, s17  }
0x98: {  	v4 =	vld [tilespmem:s17+$0x20]  }
0x99: {  	v5 =	vld [tilespmem:s17+$0x50]  }
0x9a: {  	v2 =	vld [tilespmem:s17+$0x400]  }
0x9b: {  	v3 =	vld [tilespmem:s17+$0x430]  }
0x9c: {  	v1 =	vld [tilespmem:s17+$0x460]  }
0x9d: {  	v0 =	vld [tilespmem:s17+$0x810]  }
0x9e: {  	v17 =	vld [tilespmem:s17+$0x10]  }
0x9f: {  	v18 =	vld [tilespmem:s17+$0x40]  }
0xa0: {  	v16 =	vld [tilespmem:s17+$0x70]  }
0xa1: {  	v15 =	vld [tilespmem:s17+$0x420]  }
0xa2: {  	v20 =	vld [tilespmem:s17+$0x0]  }
0xa3: {  	v22 =	vld [tilespmem:s17+$0x30]  }
0xa4: {  	v10 =	vimm.f32 $0.0e+00;
	v13 =	vimm.f32 $0.0e+00;
	v21 =	vld [tilespmem:s17+$0x60]  }
0xa5: {  	v14 =	vimm.f32 $0.0e+00;
	v11 =	vimm.f32 $0.0e+00;
	v8 =	vimm.f32 $0.0e+00;
	v19 =	vld [tilespmem:s17+$0x410]  }
0xa6: {  	v9 =	vimm.f32 $0.0e+00;
	v7 =	vimm.f32 $0.0e+00;
	v6 =	vimm.f32 $0.0e+00;
	s19 =	simm.s32 $0x1;
	v12 =	vld [tilespmem:s17+$0x450]  }
.LBB2_8:
0xa7: {  	p0 =	sne.s32 s19, $0x7F;
	v23 =	vld [tilespmem:s17+$0x800]  }
0xa8: {  	v24 =	vld [tilespmem:s17+$0x440]  }
0xa9: {  	v10 =	vadd.f32 v20, v10;
	v13 =	vadd.f32 v22, v13;
	v20 =	vld [tilespmem:s17+$0x470]  }
0xaa: {  	v14 =	vadd.f32 v21, v14;
	v11 =	vadd.f32 v19, v11;
	v19 =	vld [tilespmem:s17+$0x820]  }
0xab: {  	s20 =	sshrl.u32 s19, $0x3;
	v10 =	vadd.f32 v17, v10;
	v13 =	vadd.f32 v18, v13;
	v17 =	vld [tilespmem:s17+$0x850]  }
0xac: {  	s20 =	smul.u32 $0x3000, s20;
	v14 =	vadd.f32 v16, v14;
	v11 =	vadd.f32 v15, v11;
	v15 =	vld [tilespmem:s17+$0x830]  }
0xad: {  	s18 =	sadd.s32 $0x80, s18;
	v10 =	vadd.f32 v4, v10;
	v13 =	vadd.f32 v5, v13;
	v16 =	vld [tilespmem:s17+$0x860]  }
0xae: {  	s21 =	sand.u32 $0x380, s18;
	s20 =	sshra.s32 s20, $0x2;
	v14 =	vadd.f32 v2, v14;
	v11 =	vadd.f32 v3, v11;
	v18 =	vld [tilespmem:s17+$0x840]  }
0xaf: {  	v2 =	vadd.f32 v24, v8;
	v3 =	vadd.f32 v20, v9;
	v20 =	vld [tilespmem:s17+$0x870];
	s17 =	sor.u32 s21, s20  }
0xb0: {  	v7 =	vadd.f32 v19, v7;
	v4 =	vld [tilespmem:s17+$0x20];
	v6 =	vadd.f32 v17, v6  }
0xb1: {  	v8 =	vadd.f32 v12, v2;
	v9 =	vadd.f32 v23, v3;
	v5 =	vld [tilespmem:s17+$0x50]  }
0xb2: {  	v7 =	vadd.f32 v15, v7;
	v2 =	vld [tilespmem:s17+$0x400];
	v6 =	vadd.f32 v16, v6  }
0xb3: {  	v8 =	vadd.f32 v1, v8;
	v9 =	vadd.f32 v0, v9;
	v3 =	vld [tilespmem:s17+$0x430]  }
0xb4: {  	v7 =	vadd.f32 v18, v7;
	v1 =	vld [tilespmem:s17+$0x460];
	v6 =	vadd.f32 v20, v6  }
0xb5: {  	v0 =	vld [tilespmem:s17+$0x810]  }
0xb6: {  	v17 =	vld [tilespmem:s17+$0x10]  }
0xb7: {  	v18 =	vld [tilespmem:s17+$0x40]  }
0xb8: {  	v16 =	vld [tilespmem:s17+$0x70]  }
0xb9: {  	v15 =	vld [tilespmem:s17+$0x420]  }
.Ltmp3:
0xba: {  	v20 =	vld [tilespmem:s17+$0x0];
	(pc) =	sbr.rel @p0 .LBB2_8-.Ltmp3, $4  }
0xbb: {  	v22 =	vld [tilespmem:s17+$0x30]  }
0xbc: {  	v21 =	vld [tilespmem:s17+$0x60]  }
0xbd: {  	v19 =	vld [tilespmem:s17+$0x410]  }
0xbe: {  	s19 =	sadd.s32 $0x1, s19;
	v12 =	vld [tilespmem:s17+$0x450]  }
0xbf: {  	_ = 	snop  }
0xc0: {  	v10 =	vadd.f32 v20, v10;
	v20 =	vld [tilespmem:s17+$0x440];
	v13 =	vadd.f32 v22, v13  }
0xc1: {  	v14 =	vadd.f32 v21, v14  }
0xc2: {  	v21 =	vld [tilespmem:s17+$0x470];
	v10 =	vadd.f32 v17, v10;
	v13 =	vadd.f32 v18, v13  }
0xc3: {  	v17 =	vld [tilespmem:s17+$0x800];
	v11 =	vadd.f32 v19, v11;
	v14 =	vadd.f32 v16, v14  }
0xc4: {  	v16 =	vld [tilespmem:s17+$0x820];
	v4 =	vadd.f32 v4, v10;
	v5 =	vadd.f32 v5, v13  }
0xc5: {  	v10 =	vld [tilespmem:s17+$0x850];
	v11 =	vadd.f32 v15, v11;
	v8 =	vadd.f32 v20, v8  }
0xc6: {  	v13 =	vld [tilespmem:s17+$0x830];
	v2 =	vadd.f32 v2, v14;
	v4 =	vadd.f32 v5, v4  }
0xc7: {  	v3 =	vadd.f32 v3, v11;
	v5 =	vadd.f32 v21, v9  }
0xc8: {  	v9 =	vld [tilespmem:s17+$0x860];
	v8 =	vadd.f32 v12, v8;
	v2 =	vadd.f32 v2, v4  }
0xc9: {  	v4 =	vld [tilespmem:s17+$0x840];
	v7 =	vadd.f32 v16, v7;
	v5 =	vadd.f32 v17, v5  }
0xca: {  	v1 =	vadd.f32 v1, v8;
	v2 =	vadd.f32 v3, v2  }
0xcb: {  	v6 =	vadd.f32 v10, v6;
	v3 =	vld [tilespmem:s17+$0x870];
	v7 =	vadd.f32 v13, v7  }
0xcc: {  	v0 =	vadd.f32 v0, v5;
	v1 =	vadd.f32 v1, v2  }
0xcd: {  	v2 =	vadd.f32 v9, v6  }
0xce: {  	v4 =	vadd.f32 v4, v7;
	v0 =	vadd.f32 v0, v1;
	_ =	sdelay $0x1  }
0xcf: {  	v1 =	vadd.f32 v3, v2;
	v0 =	vadd.f32 v4, v0;
	_ =	sdelay $0x1  }
0xd0: {  	v0 =	vadd.f32 v1, v0  }
0xd1: {  	s31 =	simm.s32 $0x0  }
0xd2: {  	s17 =	smul.u32 $0x3000, s31;
	[tilespmem:$0x18200] =	vst v0  }
0xd3: {  	s18 =	simm.s32 $0x0;
	_ =	swait.ge [sflag:s13], $0xC000  }
0xd4: {  	s19 =	sand.u32 $0x380, s18;
	s17 =	sshra.s32 s17, $0x2;
	[sflag:s13] =	ssyncset.done $0x0  }
0xd5: {  	s17 =	sor.u32 s19, s17;
	[sflag:s13] =	ssyncadd.s32 $0xFFFF4000  }
0xd6: {  	v4 =	vld [tilespmem:s17+$0xC020]  }
0xd7: {  	v5 =	vld [tilespmem:s17+$0xC050]  }
0xd8: {  	v2 =	vld [tilespmem:s17+$0xC400]  }
0xd9: {  	v3 =	vld [tilespmem:s17+$0xC430]  }
0xda: {  	v1 =	vld [tilespmem:s17+$0xC460]  }
0xdb: {  	v0 =	vld [tilespmem:s17+$0xC810]  }
0xdc: {  	v17 =	vld [tilespmem:s17+$0xC010]  }
0xdd: {  	v18 =	vld [tilespmem:s17+$0xC040]  }
0xde: {  	v16 =	vld [tilespmem:s17+$0xC070]  }
0xdf: {  	v15 =	vld [tilespmem:s17+$0xC420]  }
0xe0: {  	v20 =	vld [tilespmem:s17+$0xC000]  }
0xe1: {  	v22 =	vld [tilespmem:s17+$0xC030]  }
0xe2: {  	v14 =	vimm.f32 $0.0e+00;
	v11 =	vimm.f32 $0.0e+00;
	v21 =	vld [tilespmem:s17+$0xC060]  }
0xe3: {  	v10 =	vimm.f32 $0.0e+00;
	v8 =	vimm.f32 $0.0e+00;
	v13 =	vimm.f32 $0.0e+00;
	v19 =	vld [tilespmem:s17+$0xC410]  }
0xe4: {  	v9 =	vimm.f32 $0.0e+00;
	v6 =	vimm.f32 $0.0e+00;
	s19 =	simm.s32 $0x1;
	v7 =	vimm.f32 $0.0e+00;
	v12 =	vld [tilespmem:s17+$0xC450]  }
.LBB2_10:
0xe5: {  	p0 =	sne.s32 s19, $0x7F;
	v23 =	vld [tilespmem:s17+$0xC800]  }
0xe6: {  	v24 =	vld [tilespmem:s17+$0xC440]  }
0xe7: {  	v10 =	vadd.f32 v20, v10;
	v13 =	vadd.f32 v22, v13;
	v20 =	vld [tilespmem:s17+$0xC470]  }
0xe8: {  	v14 =	vadd.f32 v21, v14;
	v11 =	vadd.f32 v19, v11;
	v19 =	vld [tilespmem:s17+$0xC820]  }
0xe9: {  	s20 =	sshrl.u32 s19, $0x3;
	v10 =	vadd.f32 v17, v10;
	v13 =	vadd.f32 v18, v13;
	v17 =	vld [tilespmem:s17+$0xC850]  }
0xea: {  	s20 =	smul.u32 $0x3000, s20;
	v14 =	vadd.f32 v16, v14;
	v11 =	vadd.f32 v15, v11;
	v15 =	vld [tilespmem:s17+$0xC830]  }
0xeb: {  	s18 =	sadd.s32 $0x80, s18;
	v10 =	vadd.f32 v4, v10;
	v13 =	vadd.f32 v5, v13;
	v16 =	vld [tilespmem:s17+$0xC860]  }
0xec: {  	s21 =	sand.u32 $0x380, s18;
	s20 =	sshra.s32 s20, $0x2;
	v14 =	vadd.f32 v2, v14;
	v11 =	vadd.f32 v3, v11;
	v18 =	vld [tilespmem:s17+$0xC840]  }
0xed: {  	v2 =	vadd.f32 v24, v8;
	v3 =	vadd.f32 v20, v9;
	v20 =	vld [tilespmem:s17+$0xC870];
	s17 =	sor.u32 s21, s20  }
0xee: {  	v7 =	vadd.f32 v19, v7;
	v4 =	vld [tilespmem:s17+$0xC020];
	v6 =	vadd.f32 v17, v6  }
0xef: {  	v8 =	vadd.f32 v12, v2;
	v9 =	vadd.f32 v23, v3;
	v5 =	vld [tilespmem:s17+$0xC050]  }
0xf0: {  	v7 =	vadd.f32 v15, v7;
	v2 =	vld [tilespmem:s17+$0xC400];
	v6 =	vadd.f32 v16, v6  }
0xf1: {  	v8 =	vadd.f32 v1, v8;
	v9 =	vadd.f32 v0, v9;
	v3 =	vld [tilespmem:s17+$0xC430]  }
0xf2: {  	v7 =	vadd.f32 v18, v7;
	v1 =	vld [tilespmem:s17+$0xC460];
	v6 =	vadd.f32 v20, v6  }
0xf3: {  	v0 =	vld [tilespmem:s17+$0xC810]  }
0xf4: {  	v17 =	vld [tilespmem:s17+$0xC010]  }
0xf5: {  	v18 =	vld [tilespmem:s17+$0xC040]  }
0xf6: {  	v16 =	vld [tilespmem:s17+$0xC070]  }
0xf7: {  	v15 =	vld [tilespmem:s17+$0xC420]  }
.Ltmp4:
0xf8: {  	v20 =	vld [tilespmem:s17+$0xC000];
	(pc) =	sbr.rel @p0 .LBB2_10-.Ltmp4, $4  }
0xf9: {  	v22 =	vld [tilespmem:s17+$0xC030]  }
0xfa: {  	v21 =	vld [tilespmem:s17+$0xC060]  }
0xfb: {  	v19 =	vld [tilespmem:s17+$0xC410]  }
0xfc: {  	s19 =	sadd.s32 $0x1, s19;
	v12 =	vld [tilespmem:s17+$0xC450]  }
0xfd: {  	_ = 	snop  }
0xfe: {  	v10 =	vadd.f32 v20, v10;
	v46 =	vld [tilespmem:s17+$0xC440];
	v13 =	vadd.f32 v22, v13  }
0xff: {  	v14 =	vadd.f32 v21, v14  }
0x100: {  	v47 =	vld [tilespmem:s17+$0xC470];
	v10 =	vadd.f32 v17, v10;
	v13 =	vadd.f32 v18, v13  }
0x101: {  	v48 =	vld [tilespmem:s17+$0xC800];
	v11 =	vadd.f32 v19, v11;
	v14 =	vadd.f32 v16, v14  }
0x102: {  	v49 =	vld [tilespmem:s17+$0xC820];
	v4 =	vadd.f32 v4, v10;
	v5 =	vadd.f32 v5, v13  }
0x103: {  	v50 =	vld [tilespmem:s17+$0xC850];
	v11 =	vadd.f32 v15, v11;
	v8 =	vadd.f32 v46, v8  }
0x104: {  	v51 =	vld [tilespmem:s17+$0xC830];
	v2 =	vadd.f32 v2, v14;
	v4 =	vadd.f32 v5, v4  }
0x105: {  	v52 =	vadd.f32 v47, v9;
	v3 =	vadd.f32 v3, v11  }
0x106: {  	v53 =	vld [tilespmem:s17+$0xC860];
	v8 =	vadd.f32 v12, v8;
	v2 =	vadd.f32 v2, v4  }
0x107: {  	v54 =	vld [tilespmem:s17+$0xC840];
	v7 =	vadd.f32 v49, v7;
	v5 =	vadd.f32 v48, v52  }
0x108: {  	v1 =	vadd.f32 v1, v8;
	v2 =	vadd.f32 v3, v2  }
0x109: {  	v55 =	vld [tilespmem:s17+$0xC870];
	v6 =	vadd.f32 v50, v6;
	v7 =	vadd.f32 v51, v7  }
0x10a: {  	v0 =	vadd.f32 v0, v5;
	v1 =	vadd.f32 v1, v2  }
0x10b: {  	v56 =	vadd.f32 v53, v6  }
0x10c: {  	v4 =	vadd.f32 v54, v7;
	v0 =	vadd.f32 v0, v1;
	_ =	sdelay $0x1  }
0x10d: {  	v58 =	vld [tilespmem:$0x18000];
	v57 =	vadd.f32 v55, v56;
	v0 =	vadd.f32 v4, v0  }
0x10e: {  	v59 =	vld [tilespmem:$0x18080]  }
0x10f: {  	v60 =	vld [tilespmem:$0x18180];
	v0 =	vadd.f32 v57, v0  }
0x110: {  	v61 =	vld [tilespmem:$0x18200]  }
0x111: {  	v62 =	vld [tilespmem:$0x18100];
	[tilespmem:$0x18280] =	vst v0  }
0x112: {  	v63 =	vld [tilespmem:$0x18280];
	_ =	sdelay $0x1  }
0x113: {  	v2 =	vadd.f32 v59, v58  }
0x114: {  	v1 =	vadd.f32 v61, v60  }
0x115: {  	v0 =	vadd.f32 v62, v2  }
0x116: {  	s16 =	sadd.s32 $0x1, s16;
	v1 =	vadd.f32 v63, v1  }
0x117: {  	p0 =	sne.s32 s16, s10;
	[tilespmem:$0x18400] =	vst v0  }
.Ltmp5:
0x118: {  	[tilespmem:$0x18480] =	vst v1;
	(pc) =	sbr.rel @p0 .LBB2_1-.Ltmp5, $4  }
0x119: {  	[hbm4b:s9+s5] =	stream.linear.scatter [tilespmem:s14], [sflag:$0x3], $0x100, $0x38;
	[tilespmem:$0x18500] =	vst v63  }
0x11a: {  	_ =	swait.ge [sflag:s15], $0x100  }
0x11b: {  	[sflag:s15] =	ssyncset.done $0x0  }
0x11c: {  	[sflag:s15] =	ssyncadd.s32 $0xFFFFFF00  }
0x11d: {  	_ =	sfence.sel $0x180000  }
0x11e: {  	[bflag:$0x0] =	sbarrier.arrive $0xFFFF  }
0x11f: {  	p0 =	sne.s32 s0, $0x0;
	_ =	strace $0x90000047  }
0x120: {  	s0 =	sadd.s32 @!p0 $0x100000, s1;
	[bflag:$0x2] =	sbarrier.arrive $0xFFFF  }
0x121: {  	[sflag:s0] =	ssyncadd.tile.s32 @!p0 $0x1;
	_ =	shalt  }
.Lfunc_end2:
_tile_overlayer_lowered:
.L_overlay_start_2:
0x122: {  	(tag) =	ssettag $0x2  }
0x123: {  	s0 =	rddreg [dreg:$0x0];
	s2 =	stileid.u32  }
0x124: {  	s1 =	rddreg [dreg:$0x1];
	p0 =	sne.s32 s2, $0x0  }
0x125: {  	s3 =	rddreg [dreg:$0x2];
	[bflag:$0x3] =	sbarrier.arrive $0xFFFF;
	s2 =	simm.s32 @!p0 $0x1C03  }
0x126: {  	[timem:s3], [sflag:s2] =	dma.local @!p0 [hbm:s0], s1  }
0x127: {  	s0 =	simm.s32 @!p0 $0x3  }
0x128: {  	_ =	swait.ge @!p0 [sflag:s0], s1  }
0x129: {  	s1 =	ssub.s32 @!p0 $0x0, s1;
	[sflag:s0] =	ssyncset.done @!p0 $0x0  }
0x12a: {  	[sflag:s0] =	ssyncadd.s32 @!p0 s1  }
0x12b: {  	[bflag:$0x3] =	sbarrier.arrive $0xFFFF  }
0x12c: {  	_ =	shalt  }

</sc_bundles>
